<compile_context>
chip_gen: v7x
topology: tpu7x:2x2x1
jax: 0.10.2.dev20260603
libtpu: 0.0.44.dev20260713+nightly
codegen_flags: <defaults>
</compile_context>

<pallas_src>
import jax
import jax.numpy as jnp
from jax.experimental import pallas as pl
from jax.experimental.pallas import tpu as pltpu
from jax.experimental.pallas import tpu_sc as plsc

VOCAB = 100000
EMB = 64
BATCH = 1024
CTX = 20

GW = 128
NIDX = BATCH * CTX
KP = 128
KW = 80

BB = 32
NB = BATCH // BB
VC = 2048
NC = (VOCAB + VC - 1) // VC
VPAD = NC * VC


def _sc_gather(emb_table, idx2):
    mesh = plsc.VectorSubcoreMesh(core_axis_name="core", subcore_axis_name="subcore")

    @pl.kernel(
        out_type=jax.ShapeDtypeStruct((NIDX, KP), emb_table.dtype),
        mesh=mesh,
    )
    def gather_kernel(x_hbm, i_hbm, o_hbm):
        def body(i_vmem, o_vmem):
            pltpu.sync_copy(x_hbm.at[i_vmem.at[0]], o_vmem)

        pltpu.emit_pipeline(
            body,
            grid=(NIDX // GW,),
            in_specs=[pl.BlockSpec((1, GW), lambda i: (0, i))],
            out_specs=[pl.BlockSpec((GW, KP), lambda i: (i, 0))],
            core_axis_name=("core", "subcore"),
            dimension_semantics=(pltpu.PARALLEL,),
        )(i_hbm, o_hbm)

    return gather_kernel(emb_table, idx2)


def _fused_body(g_ref, wt_ref, out_ref, logz_ref):
    xs = jnp.sum(g_ref[...], axis=0)
    lane = jax.lax.broadcasted_iota(jnp.int32, (BB, KP), 1)
    x = jnp.where(lane == EMB, 1.0, xs)[:, :KW].astype(jnp.bfloat16)
    m = jnp.full((BB, 1), -1e30, jnp.float32)
    s = jnp.zeros((BB, 1), jnp.float32)
    for c in range(NC):
        lo = c * VC
        l = jax.lax.dot_general(
            x, wt_ref[:, lo:lo + VC], (((1,), (0,)), ((), ())),
            preferred_element_type=jnp.float32,
        )
        m_new = jnp.maximum(m, jnp.max(l, axis=1, keepdims=True))
        e = jnp.exp((l - m_new).astype(jnp.bfloat16)).astype(jnp.float32)
        s = s * jnp.exp(m - m_new) + jnp.sum(e, axis=1, keepdims=True)
        m = m_new
        out_ref[:, lo:lo + VC] = l
    logz_ref[...] = m + jnp.log(s)


_fused = pl.pallas_call(
    _fused_body,
    grid=(NB,),
    in_specs=[
        pl.BlockSpec((CTX, BB, KP), lambda i: (0, i, 0)),
        pl.BlockSpec((KW, VPAD), lambda i: (0, 0)),
    ],
    out_specs=[
        pl.BlockSpec((BB, VPAD), lambda i: (i, 0)),
        pl.BlockSpec((BB, 1), lambda i: (i, 0)),
    ],
    out_shape=[
        jax.ShapeDtypeStruct((BATCH, VPAD), jnp.float32),
        jax.ShapeDtypeStruct((BATCH, 1), jnp.float32),
    ],
    compiler_params=pltpu.CompilerParams(
        dimension_semantics=("arbitrary",), vmem_limit_bytes=67108864
    ),
)


def kernel(inputs, emb_table, W, b):
    idx2 = inputs.astype(jnp.int32).T.reshape(1, NIDX)
    emb_pad = jnp.pad(emb_table, ((0, 0), (0, KP - EMB)))
    g = _sc_gather(emb_pad, idx2)
    g3 = g.reshape(CTX, BATCH, KP)
    wb = jnp.concatenate([W, b[:, None]], axis=1)
    wb = jnp.pad(wb, ((0, 0), (0, KW - EMB - 1)))
    wb = jnp.pad(wb, ((0, VPAD - VOCAB), (0, 0)))
    wb = wb.at[VOCAB:, EMB].set(-1e30)
    wt = wb.T.astype(jnp.bfloat16)
    staged, logz = _fused(g3, wt)
    return staged[:, :VOCAB] - logz

# --- scband reference (transcript-rebuilt; emitter-appended) ---
"""Pipeline reference for scband-word-emb-cbow-77395310674445 (READ-ONLY COPY).

The authoritative reference and input builder live on the scoring server;
editing this copy changes nothing except your own understanding.
"""

import jax, jax.numpy as jnp
import numpy as np

VOCAB = 100000
EMB = 64
BATCH = 1024
CTX = 20

def setup_inputs(seed: int = 0) -> dict:
    key = jax.random.key(seed)
    k1, k2, k3, k4 = jax.random.split(key, 4)
    inputs = jax.random.randint(k1, (BATCH, CTX), 0, VOCAB, dtype=jnp.int64 if jax.config.jax_enable_x64 else jnp.int32)
    emb_table = jax.random.normal(k2, (VOCAB, EMB), dtype=jnp.float32) * 0.02
    # torch Linear weight is [out_features, in_features] = [VOCAB, EMB]
    W = jax.random.normal(k3, (VOCAB, EMB), dtype=jnp.float32) * 0.02
    b = jax.random.normal(k4, (VOCAB,), dtype=jnp.float32) * 0.02
    return {"inputs": inputs, "emb_table": emb_table, "W": W, "b": b}

def reference(inputs, emb_table, W, b):
    # embedding gather: [B, CTX, EMB]
    embeds = jnp.take(emb_table, inputs, axis=0)
    # sum over context window -> [B, EMB]
    embeds = jnp.sum(embeds, axis=1)
    # linear: [B, VOCAB]
    out = embeds @ W.T + b
    # log_softmax over vocab dim
    return jax.nn.log_softmax(out, axis=1)

if __name__ == "__main__":
    import jax
    _d = setup_inputs()
    print(jax.jit(kernel)(*tuple(_d.values())))

</pallas_src>

<mosaic_0001>
#map = affine_map<(d0, d1) -> (0, 0)>
module attributes {stable_mosaic.version = 14 : i64} {
  func.func @gather_kernel(%arg0: i32, %arg1: i32, %arg2: memref<100000x128xf32, #tpu.memory_space<hbm>>, %arg3: memref<1x20480xi32, #tpu.memory_space<hbm>>, %arg4: memref<20480x128xf32, #tpu.memory_space<hbm>>) attributes {dimension_semantics = [#tpu.dimension_semantics<core_parallel>, #tpu.dimension_semantics<subcore_parallel>], iteration_bounds = array<i64: 2, 16>, scalar_prefetch = 0 : i64, scratch_operands = 0 : i64, tpu.core_type = #tpu.core_type<sc_vector_subcore>, window_params = [{transform_indices = #map}, {transform_indices = #map}, {transform_indices = #map}]} {
    %mul3A = arith.constant 1 : i32
    %mul3A_0 = arith.muli %arg1, %mul3A : i32
    %add3A = arith.constant 0 : i32
    %add3A_1 = arith.addi %add3A, %mul3A_0 : i32
    %mul3A_2 = arith.constant 16 : i32
    %mul3A_3 = arith.muli %arg0, %mul3A_2 : i32
    %add3A_4 = arith.addi %add3A_1, %mul3A_3 : i32
    %mul3A_5 = arith.constant 5 : i32
    %mul3A_6 = arith.muli %add3A_4, %mul3A_5 : i32
    "tpu.region"() ({
      %run_scoped3A = memref.alloca() : memref<2x1x128xi32, #tpu.memory_space<vmem>>
      %run_scoped3A_7 = tpu.sem_alloc : memref<2x!tpu.dma_semaphore, #tpu.memory_space<semaphore_mem>>
      %run_scoped3A_8 = memref.alloca() : memref<2x128x128xf32, #tpu.memory_space<vmem>>
      %run_scoped3A_9 = tpu.sem_alloc : memref<2x!tpu.dma_semaphore, #tpu.memory_space<semaphore_mem>>
      %add3A_10 = arith.constant 0 : i32
      %add3A_11 = arith.addi %add3A_10, %mul3A_6 : i32
      %select_n3A = arith.constant true
      %select_n3A_12 = arith.constant 0 : i32
      %select_n3A_13 = arith.constant -1 : i32
      %select_n3A_14 = arith.select %select_n3A, %select_n3A_13, %select_n3A_12 : i32
      %eq3A = arith.constant -1 : i32
      %eq3A_15 = arith.cmpi eq, %select_n3A_14, %eq3A : i32
      %select_n3A_16 = arith.constant 4 : i32
      %select_n3A_17 = arith.select %eq3A_15, %select_n3A_16, %select_n3A_14 : i32
      %add3A_18 = arith.addi %select_n3A_17, %mul3A_6 : i32
      %select_n3A_19 = arith.constant true
      %select_n3A_20 = arith.constant 0 : i32
      %select_n3A_21 = arith.constant 1 : i32
      %select_n3A_22 = arith.select %select_n3A_19, %select_n3A_21, %select_n3A_20 : i32
      %eq3A_23 = arith.constant 5 : i32
      %eq3A_24 = arith.cmpi eq, %select_n3A_22, %eq3A_23 : i32
      %select_n3A_25 = arith.constant 0 : i32
      %select_n3A_26 = arith.select %eq3A_24, %select_n3A_25, %select_n3A_22 : i32
      %add3A_27 = arith.addi %select_n3A_26, %mul3A_6 : i32
      %add3A_28 = arith.constant 1 : i32
      %add3A_29 = arith.addi %select_n3A_26, %add3A_28 : i32
      %select_n3A_30 = arith.constant true
      %select_n3A_31 = arith.select %select_n3A_30, %add3A_29, %select_n3A_26 : i32
      %eq3A_32 = arith.constant 5 : i32
      %eq3A_33 = arith.cmpi eq, %select_n3A_31, %eq3A_32 : i32
      %select_n3A_34 = arith.constant 0 : i32
      %select_n3A_35 = arith.select %eq3A_33, %select_n3A_34, %select_n3A_31 : i32
      %add3A_36 = arith.addi %select_n3A_35, %mul3A_6 : i32
      "tpu.trace_start"() <{level = 10 : i32, message = "ep_initialize_0"}> : () -> ()
      %rem3A = arith.constant 0 : i32
      %rem3A_37 = arith.constant 2 : i32
      %rem3A_38 = arith.remui %rem3A, %rem3A_37 : i32
      %mul3A_39 = arith.constant 128 : i32
      %mul3A_40 = arith.muli %mul3A_39, %add3A_11 : i32
      %dma_start3A = arith.constant 0 : i32
      %dma_start3A_41 = arith.constant 0 : i32
      %dma_start3A_42 = tpu.memref_slice %run_scoped3A[%rem3A_38, %dma_start3A, %dma_start3A_41] : memref<2x1x128xi32, #tpu.memory_space<vmem>> -> memref<1x1x128xi32, #tpu.memory_space<vmem>>
      %dma_start3A_43 = tpu.memref_squeeze %dma_start3A_42 : memref<1x1x128xi32, #tpu.memory_space<vmem>> -> memref<1x128xi32, #tpu.memory_space<vmem>>
      %dma_start3A_44 = arith.constant 0 : i32
      %dma_start3A_45 = tpu.memref_slice %arg3[%dma_start3A_44, %mul3A_40] : memref<1x20480xi32, #tpu.memory_space<hbm>> -> memref<1x128xi32, #tpu.memory_space<hbm>>
      %dma_start3A_46 = tpu.memref_slice %run_scoped3A_7[%rem3A_38] : memref<2x!tpu.dma_semaphore, #tpu.memory_space<semaphore_mem>> -> memref<1x!tpu.dma_semaphore, #tpu.memory_space<semaphore_mem>>
      %dma_start3A_47 = tpu.memref_squeeze %dma_start3A_46 : memref<1x!tpu.dma_semaphore, #tpu.memory_space<semaphore_mem>> -> memref<!tpu.dma_semaphore, #tpu.memory_space<semaphore_mem>>
      %dma_start3A_48 = arith.constant 0 : i32
      %dma_start3A_49 = arith.constant 0 : i32
      %dma_start3A_50 = tpu.memref_slice %run_scoped3A[%rem3A_38, %dma_start3A_48, %dma_start3A_49] : memref<2x1x128xi32, #tpu.memory_space<vmem>> -> memref<1x1x128xi32, #tpu.memory_space<vmem>>
      %dma_start3A_51 = tpu.memref_squeeze %dma_start3A_50 : memref<1x1x128xi32, #tpu.memory_space<vmem>> -> memref<1x128xi32, #tpu.memory_space<vmem>>
      %dma_start3A_52 = arith.constant 0 : i32
      %dma_start3A_53 = tpu.memref_slice %arg3[%dma_start3A_52, %mul3A_40] : memref<1x20480xi32, #tpu.memory_space<hbm>> -> memref<1x128xi32, #tpu.memory_space<hbm>>
      tpu.enqueue_dma source(%dma_start3A_53 : memref<1x128xi32, #tpu.memory_space<hbm>>) target(%dma_start3A_51 : memref<1x128xi32, #tpu.memory_space<vmem>>) target_semaphore(%dma_start3A_47 : memref<!tpu.dma_semaphore, #tpu.memory_space<semaphore_mem>>)
      %add3A_54 = arith.constant 0 : i32
      %add3A_55 = arith.constant 1 : i32
      %add3A_56 = arith.addi %add3A_54, %add3A_55 : i32
      %select_n3A_57 = arith.constant true
      %select_n3A_58 = arith.constant 0 : i32
      %select_n3A_59 = arith.select %select_n3A_57, %add3A_56, %select_n3A_58 : i32
      "tpu.trace_stop"() : () -> ()
      %scan3A = arith.constant 0 : i32
      %scan3A_60 = arith.constant 0 : i32
      %scan3A_61 = arith.constant 0 : i32
      %scan3A_62 = arith.constant 0 : i32
      %scan3A_63 = arith.constant 0 : i32
      %scan3A_64 = arith.constant 5 : i32
      %scan3A_65 = arith.addi %scan3A_63, %scan3A_64 : i32
      %scan3A_66 = arith.constant 1 : i32
      %scan3A_67:5 = scf.for %scan3A_121 = %scan3A_63 to %scan3A_65 step %scan3A_66 iter_args(%scan3A_122 = %select_n3A_59, %scan3A_123 = %scan3A, %scan3A_124 = %scan3A_60, %scan3A_125 = %scan3A_61, %scan3A_126 = %scan3A_62) -> (i32, i32, i32, i32, i32)  : i32 {
        %eq3A_127 = arith.constant 0 : i32
        %eq3A_128 = arith.cmpi eq, %scan3A_121, %eq3A_127 : i32
        %eq3A_129 = arith.constant 4 : i32
        %eq3A_130 = arith.cmpi eq, %scan3A_121, %eq3A_129 : i32
        %add3A_131 = arith.addi %scan3A_126, %mul3A_6 : i32
        %sub3A_132 = arith.constant 1 : i32
        %sub3A_133 = arith.subi %scan3A_126, %sub3A_132 : i32
        %select_n3A_134 = arith.constant true
        %select_n3A_135 = arith.select %select_n3A_134, %sub3A_133, %scan3A_126 : i32
        %eq3A_136 = arith.constant -1 : i32
        %eq3A_137 = arith.cmpi eq, %select_n3A_135, %eq3A_136 : i32
        %select_n3A_138 = arith.constant 4 : i32
        %select_n3A_139 = arith.select %eq3A_137, %select_n3A_138, %select_n3A_135 : i32
        %add3A_140 = arith.addi %select_n3A_139, %mul3A_6 : i32
        %add3A_141 = arith.constant 1 : i32
        %add3A_142 = arith.addi %scan3A_126, %add3A_141 : i32
        %select_n3A_143 = arith.constant true
        %select_n3A_144 = arith.select %select_n3A_143, %add3A_142, %scan3A_126 : i32
        %eq3A_145 = arith.constant 5 : i32
        %eq3A_146 = arith.cmpi eq, %select_n3A_144, %eq3A_145 : i32
        %select_n3A_147 = arith.constant 0 : i32
        %select_n3A_148 = arith.select %eq3A_146, %select_n3A_147, %select_n3A_144 : i32
        %add3A_149 = arith.addi %select_n3A_148, %mul3A_6 : i32
        %add3A_150 = arith.constant 1 : i32
        %add3A_151 = arith.addi %select_n3A_148, %add3A_150 : i32
        %select_n3A_152 = arith.constant true
        %select_n3A_153 = arith.select %select_n3A_152, %add3A_151, %select_n3A_148 : i32
        %eq3A_154 = arith.constant 5 : i32
        %eq3A_155 = arith.cmpi eq, %select_n3A_153, %eq3A_154 : i32
        %select_n3A_156 = arith.constant 0 : i32
        %select_n3A_157 = arith.select %eq3A_155, %select_n3A_156, %select_n3A_153 : i32
        %add3A_158 = arith.addi %select_n3A_157, %mul3A_6 : i32
        %ne3A = arith.cmpi ne, %add3A_131, %add3A_149 : i32
        %or3A = arith.constant false
        %or3A_159 = arith.ori %or3A, %ne3A : i1
        %ge3A = arith.constant 4 : i32
        %ge3A_160 = arith.cmpi sge, %scan3A_121, %ge3A : i32
        %not3A = arith.constant true
        %not3A_161 = arith.xori %ge3A_160, %not3A : i1
        %and3A = arith.andi %or3A_159, %not3A_161 : i1
        %convert_element_type3A = arith.extui %and3A : i1 to i32
        %cond3A = arith.constant 0 : i32
        %cond3A_162 = arith.cmpi ne, %convert_element_type3A, %cond3A : i32
        scf.if %cond3A_162 {
          "tpu.trace_start"() <{level = 10 : i32, message = "ep_copy_in"}> : () -> ()
          %rem3A_264 = arith.constant 2 : i32
          %rem3A_265 = arith.remui %scan3A_122, %rem3A_264 : i32
          %mul3A_266 = arith.constant 128 : i32
          %mul3A_267 = arith.muli %mul3A_266, %add3A_149 : i32
          %dma_start3A_268 = arith.constant 0 : i32
          %dma_start3A_269 = arith.constant 0 : i32
          %dma_start3A_270 = tpu.memref_slice %run_scoped3A[%rem3A_265, %dma_start3A_268, %dma_start3A_269] : memref<2x1x128xi32, #tpu.memory_space<vmem>> -> memref<1x1x128xi32, #tpu.memory_space<vmem>>
          %dma_start3A_271 = tpu.memref_squeeze %dma_start3A_270 : memref<1x1x128xi32, #tpu.memory_space<vmem>> -> memref<1x128xi32, #tpu.memory_space<vmem>>
          %dma_start3A_272 = arith.constant 0 : i32
          %dma_start3A_273 = tpu.memref_slice %arg3[%dma_start3A_272, %mul3A_267] : memref<1x20480xi32, #tpu.memory_space<hbm>> -> memref<1x128xi32, #tpu.memory_space<hbm>>
          %dma_start3A_274 = tpu.memref_slice %run_scoped3A_7[%rem3A_265] : memref<2x!tpu.dma_semaphore, #tpu.memory_space<semaphore_mem>> -> memref<1x!tpu.dma_semaphore, #tpu.memory_space<semaphore_mem>>
          %dma_start3A_275 = tpu.memref_squeeze %dma_start3A_274 : memref<1x!tpu.dma_semaphore, #tpu.memory_space<semaphore_mem>> -> memref<!tpu.dma_semaphore, #tpu.memory_space<semaphore_mem>>
          %dma_start3A_276 = arith.constant 0 : i32
          %dma_start3A_277 = arith.constant 0 : i32
          %dma_start3A_278 = tpu.memref_slice %run_scoped3A[%rem3A_265, %dma_start3A_276, %dma_start3A_277] : memref<2x1x128xi32, #tpu.memory_space<vmem>> -> memref<1x1x128xi32, #tpu.memory_space<vmem>>
          %dma_start3A_279 = tpu.memref_squeeze %dma_start3A_278 : memref<1x1x128xi32, #tpu.memory_space<vmem>> -> memref<1x128xi32, #tpu.memory_space<vmem>>
          %dma_start3A_280 = arith.constant 0 : i32
          %dma_start3A_281 = tpu.memref_slice %arg3[%dma_start3A_280, %mul3A_267] : memref<1x20480xi32, #tpu.memory_space<hbm>> -> memref<1x128xi32, #tpu.memory_space<hbm>>
          tpu.enqueue_dma source(%dma_start3A_281 : memref<1x128xi32, #tpu.memory_space<hbm>>) target(%dma_start3A_279 : memref<1x128xi32, #tpu.memory_space<vmem>>) target_semaphore(%dma_start3A_275 : memref<!tpu.dma_semaphore, #tpu.memory_space<semaphore_mem>>)
          "tpu.trace_stop"() : () -> ()
        } else {
        }
        %and3A_163 = arith.constant true
        %and3A_164 = arith.andi %and3A, %and3A_163 : i1
        %add3A_165 = arith.constant 1 : i32
        %add3A_166 = arith.addi %scan3A_122, %add3A_165 : i32
        %select_n3A_167 = arith.select %and3A_164, %add3A_166, %scan3A_122 : i32
        %ne3A_168 = arith.cmpi ne, %add3A_131, %add3A_149 : i32
        %or3A_169 = arith.constant false
        %or3A_170 = arith.ori %or3A_169, %ne3A_168 : i1
        %or3A_171 = arith.constant false
        %or3A_172 = arith.ori %or3A_170, %or3A_171 : i1
        %ge3A_173 = arith.constant 4 : i32
        %ge3A_174 = arith.cmpi sge, %scan3A_121, %ge3A_173 : i32
        %not3A_175 = arith.constant true
        %not3A_176 = arith.xori %ge3A_174, %not3A_175 : i1
        %and3A_177 = arith.andi %or3A_172, %not3A_176 : i1
        %ne3A_178 = arith.cmpi ne, %add3A_131, %add3A_140 : i32
        %or3A_179 = arith.constant false
        %or3A_180 = arith.ori %or3A_179, %ne3A_178 : i1
        %or3A_181 = arith.ori %or3A_180, %eq3A_128 : i1
        %convert_element_type3A_182 = arith.extui %or3A_181 : i1 to i32
        %cond3A_183 = arith.constant 0 : i32
        %cond3A_184 = arith.cmpi ne, %convert_element_type3A_182, %cond3A_183 : i32
        scf.if %cond3A_184 {
          "tpu.trace_start"() <{level = 10 : i32, message = "ep_wait_in"}> : () -> ()
          %mul3A_264 = arith.constant 128 : i32
          %mul3A_265 = arith.muli %mul3A_264, %add3A_131 : i32
          %rem3A_266 = arith.constant 2 : i32
          %rem3A_267 = arith.remui %scan3A_123, %rem3A_266 : i32
          %dma_wait3A_268 = arith.constant 0 : i32
          %dma_wait3A_269 = arith.constant 0 : i32
          %dma_wait3A_270 = tpu.memref_slice %run_scoped3A[%rem3A_267, %dma_wait3A_268, %dma_wait3A_269] : memref<2x1x128xi32, #tpu.memory_space<vmem>> -> memref<1x1x128xi32, #tpu.memory_space<vmem>>
          %dma_wait3A_271 = tpu.memref_squeeze %dma_wait3A_270 : memref<1x1x128xi32, #tpu.memory_space<vmem>> -> memref<1x128xi32, #tpu.memory_space<vmem>>
          %dma_wait3A_272 = arith.constant 0 : i32
          %dma_wait3A_273 = tpu.memref_slice %arg3[%dma_wait3A_272, %mul3A_265] : memref<1x20480xi32, #tpu.memory_space<hbm>> -> memref<1x128xi32, #tpu.memory_space<hbm>>
          %dma_wait3A_274 = tpu.memref_slice %run_scoped3A_7[%rem3A_267] : memref<2x!tpu.dma_semaphore, #tpu.memory_space<semaphore_mem>> -> memref<1x!tpu.dma_semaphore, #tpu.memory_space<semaphore_mem>>
          %dma_wait3A_275 = tpu.memref_squeeze %dma_wait3A_274 : memref<1x!tpu.dma_semaphore, #tpu.memory_space<semaphore_mem>> -> memref<!tpu.dma_semaphore, #tpu.memory_space<semaphore_mem>>
          %dma_wait3A_276 = arith.constant 0 : i32
          %dma_wait3A_277 = arith.constant 0 : i32
          %dma_wait3A_278 = tpu.memref_slice %run_scoped3A[%rem3A_267, %dma_wait3A_276, %dma_wait3A_277] : memref<2x1x128xi32, #tpu.memory_space<vmem>> -> memref<1x1x128xi32, #tpu.memory_space<vmem>>
          %dma_wait3A_279 = tpu.memref_squeeze %dma_wait3A_278 : memref<1x1x128xi32, #tpu.memory_space<vmem>> -> memref<1x128xi32, #tpu.memory_space<vmem>>
          %dma_wait3A_280 = arith.constant 0 : i32
          %dma_wait3A_281 = tpu.memref_slice %arg3[%dma_wait3A_280, %mul3A_265] : memref<1x20480xi32, #tpu.memory_space<hbm>> -> memref<1x128xi32, #tpu.memory_space<hbm>>
          tpu.wait_dma2 semaphore(%dma_wait3A_275 : memref<!tpu.dma_semaphore, #tpu.memory_space<semaphore_mem>>) src(%dma_wait3A_281 : memref<1x128xi32, #tpu.memory_space<hbm>>) dst(%dma_wait3A_279 : memref<1x128xi32, #tpu.memory_space<vmem>>)
          "tpu.trace_stop"() : () -> ()
        } else {
        }
        %ne3A_185 = arith.cmpi ne, %add3A_131, %add3A_140 : i32
        %or3A_186 = arith.constant false
        %or3A_187 = arith.ori %or3A_186, %ne3A_185 : i1
        %or3A_188 = arith.constant false
        %or3A_189 = arith.ori %or3A_187, %or3A_188 : i1
        %or3A_190 = arith.ori %or3A_189, %eq3A_128 : i1
        %convert_element_type3A_191 = arith.extui %or3A_190 : i1 to i32
        %cond3A_192 = arith.constant 0 : i32
        %cond3A_193 = arith.cmpi ne, %convert_element_type3A_191, %cond3A_192 : i32
        scf.if %cond3A_193 {
        } else {
        }
        %rem3A_194 = arith.constant 2 : i32
        %rem3A_195 = arith.remui %scan3A_123, %rem3A_194 : i32
        %rem3A_196 = arith.constant 2 : i32
        %rem3A_197 = arith.remui %scan3A_124, %rem3A_196 : i32
        %run_scoped3A_198 = arith.constant 0 : i32
        "tpu.trace_start"() <{level = 10 : i32, message = "ep_run_kernel"}> : () -> ()
        "tpu.region"() ({
          %run_scoped3A_264 = tpu.sem_alloc : memref<!tpu.dma_semaphore, #tpu.memory_space<semaphore_mem>>
          %dma_start3A_265 = arith.constant 0 : i32
          %dma_start3A_266 = arith.constant 0 : i32
          %dma_start3A_267 = tpu.memref_slice %run_scoped3A_8[%rem3A_197, %dma_start3A_265, %dma_start3A_266] : memref<2x128x128xf32, #tpu.memory_space<vmem>> -> memref<1x128x128xf32, #tpu.memory_space<vmem>>
          %dma_start3A_268 = tpu.memref_squeeze %dma_start3A_267 : memref<1x128x128xf32, #tpu.memory_space<vmem>> -> memref<128x128xf32, #tpu.memory_space<vmem>>
          %dma_start3A_269 = arith.constant 0 : i32
          %dma_start3A_270 = arith.constant 0 : i32
          %dma_start3A_271 = tpu.memref_slice %run_scoped3A[%rem3A_195, %dma_start3A_269, %dma_start3A_270] : memref<2x1x128xi32, #tpu.memory_space<vmem>> -> memref<1x1x128xi32, #tpu.memory_space<vmem>>
          %dma_start3A_272 = tpu.memref_squeeze %dma_start3A_271 : memref<1x1x128xi32, #tpu.memory_space<vmem>> -> memref<1x128xi32, #tpu.memory_space<vmem>>
          %dma_start3A_273 = arith.constant 0 : i32
          %dma_start3A_274 = tpu.memref_slice %dma_start3A_272[%run_scoped3A_198, %dma_start3A_273] : memref<1x128xi32, #tpu.memory_space<vmem>> -> memref<1x128xi32, #tpu.memory_space<vmem>>
          %dma_start3A_275 = tpu.memref_squeeze %dma_start3A_274 : memref<1x128xi32, #tpu.memory_space<vmem>> -> memref<128xi32, #tpu.memory_space<vmem>>
          %dma_start3A_276 = arith.constant 0 : i32
          %dma_start3A_277 = arith.constant 0 : i32
          %dma_start3A_278 = tpu.memref_slice %arg2[%dma_start3A_276, %dma_start3A_277] : memref<100000x128xf32, #tpu.memory_space<hbm>> -> memref<100000x128xf32, #tpu.memory_space<hbm>>
          tpu.enqueue_indirect_dma source(%dma_start3A_278 : memref<100000x128xf32, #tpu.memory_space<hbm>>) target(%dma_start3A_268 : memref<128x128xf32, #tpu.memory_space<vmem>>) offsets(%dma_start3A_275 : memref<128xi32, #tpu.memory_space<vmem>>) semaphore(%run_scoped3A_264 : memref<!tpu.dma_semaphore, #tpu.memory_space<semaphore_mem>>)
          %dma_wait3A_279 = arith.constant 0 : i32
          %dma_wait3A_280 = arith.constant 0 : i32
          %dma_wait3A_281 = tpu.memref_slice %run_scoped3A_8[%rem3A_197, %dma_wait3A_279, %dma_wait3A_280] : memref<2x128x128xf32, #tpu.memory_space<vmem>> -> memref<1x128x128xf32, #tpu.memory_space<vmem>>
          %dma_wait3A_282 = tpu.memref_squeeze %dma_wait3A_281 : memref<1x128x128xf32, #tpu.memory_space<vmem>> -> memref<128x128xf32, #tpu.memory_space<vmem>>
          %dma_wait3A_283 = arith.constant 0 : i32
          %dma_wait3A_284 = arith.constant 0 : i32
          %dma_wait3A_285 = tpu.memref_slice %run_scoped3A[%rem3A_195, %dma_wait3A_283, %dma_wait3A_284] : memref<2x1x128xi32, #tpu.memory_space<vmem>> -> memref<1x1x128xi32, #tpu.memory_space<vmem>>
          %dma_wait3A_286 = tpu.memref_squeeze %dma_wait3A_285 : memref<1x1x128xi32, #tpu.memory_space<vmem>> -> memref<1x128xi32, #tpu.memory_space<vmem>>
          %dma_wait3A_287 = arith.constant 0 : i32
          %dma_wait3A_288 = tpu.memref_slice %dma_wait3A_286[%run_scoped3A_198, %dma_wait3A_287] : memref<1x128xi32, #tpu.memory_space<vmem>> -> memref<1x128xi32, #tpu.memory_space<vmem>>
          %dma_wait3A_289 = tpu.memref_squeeze %dma_wait3A_288 : memref<1x128xi32, #tpu.memory_space<vmem>> -> memref<128xi32, #tpu.memory_space<vmem>>
          %dma_wait3A_290 = arith.constant 0 : i32
          %dma_wait3A_291 = arith.constant 0 : i32
          %dma_wait3A_292 = tpu.memref_slice %arg2[%dma_wait3A_290, %dma_wait3A_291] : memref<100000x128xf32, #tpu.memory_space<hbm>> -> memref<100000x128xf32, #tpu.memory_space<hbm>>
          tpu.wait_indirect_dma semaphore(%run_scoped3A_264 : memref<!tpu.dma_semaphore, #tpu.memory_space<semaphore_mem>>) src(%dma_wait3A_292 : memref<100000x128xf32, #tpu.memory_space<hbm>>) dst(%dma_wait3A_282 : memref<128x128xf32, #tpu.memory_space<vmem>>)
          tpu.yield
        }) : () -> ()
        "tpu.trace_stop"() : () -> ()
        %ne3A_199 = arith.cmpi ne, %add3A_131, %add3A_149 : i32
        %or3A_200 = arith.constant false
        %or3A_201 = arith.ori %or3A_200, %ne3A_199 : i1
        %or3A_202 = arith.ori %or3A_201, %eq3A_130 : i1
        %convert_element_type3A_203 = arith.extui %or3A_202 : i1 to i32
        %cond3A_204 = arith.constant 0 : i32
        %cond3A_205 = arith.cmpi ne, %convert_element_type3A_203, %cond3A_204 : i32
        scf.if %cond3A_205 {
        } else {
        }
        %and3A_206 = arith.constant false
        %and3A_207 = arith.andi %or3A_202, %and3A_206 : i1
        %ne3A_208 = arith.cmpi ne, %add3A_131, %add3A_149 : i32
        %or3A_209 = arith.constant false
        %or3A_210 = arith.ori %or3A_209, %ne3A_208 : i1
        %or3A_211 = arith.constant false
        %or3A_212 = arith.ori %or3A_210, %or3A_211 : i1
        %or3A_213 = arith.ori %or3A_212, %eq3A_130 : i1
        %convert_element_type3A_214 = arith.extui %or3A_213 : i1 to i32
        %cond3A_215 = arith.constant 0 : i32
        %cond3A_216 = arith.cmpi ne, %convert_element_type3A_214, %cond3A_215 : i32
        scf.if %cond3A_216 {
          "tpu.trace_start"() <{level = 10 : i32, message = "ep_copy_out"}> : () -> ()
          %rem3A_264 = arith.constant 2 : i32
          %rem3A_265 = arith.remui %scan3A_124, %rem3A_264 : i32
          %mul3A_266 = arith.constant 128 : i32
          %mul3A_267 = arith.muli %mul3A_266, %add3A_131 : i32
          %dma_start3A_268 = arith.constant 0 : i32
          %dma_start3A_269 = arith.constant 0 : i32
          %dma_start3A_270 = tpu.memref_slice %run_scoped3A_8[%rem3A_265, %dma_start3A_268, %dma_start3A_269] : memref<2x128x128xf32, #tpu.memory_space<vmem>> -> memref<1x128x128xf32, #tpu.memory_space<vmem>>
          %dma_start3A_271 = tpu.memref_squeeze %dma_start3A_270 : memref<1x128x128xf32, #tpu.memory_space<vmem>> -> memref<128x128xf32, #tpu.memory_space<vmem>>
          %dma_start3A_272 = arith.constant 0 : i32
          %dma_start3A_273 = tpu.memref_slice %arg4[%mul3A_267, %dma_start3A_272] : memref<20480x128xf32, #tpu.memory_space<hbm>> -> memref<128x128xf32, #tpu.memory_space<hbm>>
          %dma_start3A_274 = tpu.memref_slice %run_scoped3A_9[%rem3A_265] : memref<2x!tpu.dma_semaphore, #tpu.memory_space<semaphore_mem>> -> memref<1x!tpu.dma_semaphore, #tpu.memory_space<semaphore_mem>>
          %dma_start3A_275 = tpu.memref_squeeze %dma_start3A_274 : memref<1x!tpu.dma_semaphore, #tpu.memory_space<semaphore_mem>> -> memref<!tpu.dma_semaphore, #tpu.memory_space<semaphore_mem>>
          %dma_start3A_276 = arith.constant 0 : i32
          %dma_start3A_277 = tpu.memref_slice %arg4[%mul3A_267, %dma_start3A_276] : memref<20480x128xf32, #tpu.memory_space<hbm>> -> memref<128x128xf32, #tpu.memory_space<hbm>>
          %dma_start3A_278 = arith.constant 0 : i32
          %dma_start3A_279 = arith.constant 0 : i32
          %dma_start3A_280 = tpu.memref_slice %run_scoped3A_8[%rem3A_265, %dma_start3A_278, %dma_start3A_279] : memref<2x128x128xf32, #tpu.memory_space<vmem>> -> memref<1x128x128xf32, #tpu.memory_space<vmem>>
          %dma_start3A_281 = tpu.memref_squeeze %dma_start3A_280 : memref<1x128x128xf32, #tpu.memory_space<vmem>> -> memref<128x128xf32, #tpu.memory_space<vmem>>
          tpu.enqueue_dma source(%dma_start3A_281 : memref<128x128xf32, #tpu.memory_space<vmem>>) target(%dma_start3A_277 : memref<128x128xf32, #tpu.memory_space<hbm>>) target_semaphore(%dma_start3A_275 : memref<!tpu.dma_semaphore, #tpu.memory_space<semaphore_mem>>)
          "tpu.trace_stop"() : () -> ()
        } else {
        }
        %and3A_217 = arith.constant true
        %and3A_218 = arith.andi %or3A_213, %and3A_217 : i1
        %add3A_219 = arith.constant 1 : i32
        %add3A_220 = arith.addi %scan3A_124, %add3A_219 : i32
        %select_n3A_221 = arith.select %and3A_218, %add3A_220, %scan3A_124 : i32
        %ne3A_222 = arith.cmpi ne, %add3A_131, %add3A_140 : i32
        %or3A_223 = arith.constant false
        %or3A_224 = arith.ori %or3A_223, %ne3A_222 : i1
        %not3A_225 = arith.constant true
        %not3A_226 = arith.xori %eq3A_128, %not3A_225 : i1
        %and3A_227 = arith.andi %or3A_224, %not3A_226 : i1
        %convert_element_type3A_228 = arith.extui %and3A_227 : i1 to i32
        %cond3A_229 = arith.constant 0 : i32
        %cond3A_230 = arith.cmpi ne, %convert_element_type3A_228, %cond3A_229 : i32
        scf.if %cond3A_230 {
        } else {
        }
        %and3A_231 = arith.constant false
        %and3A_232 = arith.andi %and3A_227, %and3A_231 : i1
        %ne3A_233 = arith.cmpi ne, %add3A_131, %add3A_140 : i32
        %or3A_234 = arith.constant false
        %or3A_235 = arith.ori %or3A_234, %ne3A_233 : i1
        %or3A_236 = arith.constant false
        %or3A_237 = arith.ori %or3A_235, %or3A_236 : i1
        %not3A_238 = arith.constant true
        %not3A_239 = arith.xori %eq3A_128, %not3A_238 : i1
        %and3A_240 = arith.andi %or3A_237, %not3A_239 : i1
        %convert_element_type3A_241 = arith.extui %and3A_240 : i1 to i32
        %cond3A_242 = arith.constant 0 : i32
        %cond3A_243 = arith.cmpi ne, %convert_element_type3A_241, %cond3A_242 : i32
        scf.if %cond3A_243 {
          "tpu.trace_start"() <{level = 10 : i32, message = "ep_wait_out"}> : () -> ()
          %rem3A_264 = arith.constant 2 : i32
          %rem3A_265 = arith.remui %scan3A_125, %rem3A_264 : i32
          %mul3A_266 = arith.constant 128 : i32
          %mul3A_267 = arith.muli %mul3A_266, %add3A_140 : i32
          %dma_wait3A_268 = arith.constant 0 : i32
          %dma_wait3A_269 = arith.constant 0 : i32
          %dma_wait3A_270 = tpu.memref_slice %run_scoped3A_8[%rem3A_265, %dma_wait3A_268, %dma_wait3A_269] : memref<2x128x128xf32, #tpu.memory_space<vmem>> -> memref<1x128x128xf32, #tpu.memory_space<vmem>>
          %dma_wait3A_271 = tpu.memref_squeeze %dma_wait3A_270 : memref<1x128x128xf32, #tpu.memory_space<vmem>> -> memref<128x128xf32, #tpu.memory_space<vmem>>
          %dma_wait3A_272 = arith.constant 0 : i32
          %dma_wait3A_273 = tpu.memref_slice %arg4[%mul3A_267, %dma_wait3A_272] : memref<20480x128xf32, #tpu.memory_space<hbm>> -> memref<128x128xf32, #tpu.memory_space<hbm>>
          %dma_wait3A_274 = tpu.memref_slice %run_scoped3A_9[%rem3A_265] : memref<2x!tpu.dma_semaphore, #tpu.memory_space<semaphore_mem>> -> memref<1x!tpu.dma_semaphore, #tpu.memory_space<semaphore_mem>>
          %dma_wait3A_275 = tpu.memref_squeeze %dma_wait3A_274 : memref<1x!tpu.dma_semaphore, #tpu.memory_space<semaphore_mem>> -> memref<!tpu.dma_semaphore, #tpu.memory_space<semaphore_mem>>
          %dma_wait3A_276 = arith.constant 0 : i32
          %dma_wait3A_277 = tpu.memref_slice %arg4[%mul3A_267, %dma_wait3A_276] : memref<20480x128xf32, #tpu.memory_space<hbm>> -> memref<128x128xf32, #tpu.memory_space<hbm>>
          %dma_wait3A_278 = arith.constant 0 : i32
          %dma_wait3A_279 = arith.constant 0 : i32
          %dma_wait3A_280 = tpu.memref_slice %run_scoped3A_8[%rem3A_265, %dma_wait3A_278, %dma_wait3A_279] : memref<2x128x128xf32, #tpu.memory_space<vmem>> -> memref<1x128x128xf32, #tpu.memory_space<vmem>>
          %dma_wait3A_281 = tpu.memref_squeeze %dma_wait3A_280 : memref<1x128x128xf32, #tpu.memory_space<vmem>> -> memref<128x128xf32, #tpu.memory_space<vmem>>
          tpu.wait_dma2 semaphore(%dma_wait3A_275 : memref<!tpu.dma_semaphore, #tpu.memory_space<semaphore_mem>>) src(%dma_wait3A_281 : memref<128x128xf32, #tpu.memory_space<vmem>>) dst(%dma_wait3A_277 : memref<128x128xf32, #tpu.memory_space<hbm>>)
          "tpu.trace_stop"() : () -> ()
        } else {
        }
        %and3A_244 = arith.constant true
        %and3A_245 = arith.andi %and3A_240, %and3A_244 : i1
        %add3A_246 = arith.constant 1 : i32
        %add3A_247 = arith.addi %scan3A_125, %add3A_246 : i32
        %select_n3A_248 = arith.select %and3A_245, %add3A_247, %scan3A_125 : i32
        %ne3A_249 = arith.cmpi ne, %add3A_131, %add3A_149 : i32
        %or3A_250 = arith.constant false
        %or3A_251 = arith.ori %or3A_250, %ne3A_249 : i1
        %or3A_252 = arith.ori %or3A_251, %eq3A_130 : i1
        %add3A_253 = arith.constant 1 : i32
        %add3A_254 = arith.addi %scan3A_123, %add3A_253 : i32
        %select_n3A_255 = arith.select %or3A_252, %add3A_254, %scan3A_123 : i32
        %add3A_256 = arith.constant 1 : i32
        %add3A_257 = arith.addi %scan3A_126, %add3A_256 : i32
        %select_n3A_258 = arith.constant true
        %select_n3A_259 = arith.select %select_n3A_258, %add3A_257, %scan3A_126 : i32
        %eq3A_260 = arith.constant 5 : i32
        %eq3A_261 = arith.cmpi eq, %select_n3A_259, %eq3A_260 : i32
        %select_n3A_262 = arith.constant 0 : i32
        %select_n3A_263 = arith.select %eq3A_261, %select_n3A_262, %select_n3A_259 : i32
        scf.yield %select_n3A_167, %select_n3A_255, %select_n3A_221, %select_n3A_248, %select_n3A_263 : i32, i32, i32, i32, i32
      }
      %scan3A_68 = arith.constant 5 : i32
      %sub3A = arith.constant 1 : i32
      %sub3A_69 = arith.subi %scan3A_67#4, %sub3A : i32
      %select_n3A_70 = arith.constant true
      %select_n3A_71 = arith.select %select_n3A_70, %sub3A_69, %scan3A_67#4 : i32
      %eq3A_72 = arith.constant -1 : i32
      %eq3A_73 = arith.cmpi eq, %select_n3A_71, %eq3A_72 : i32
      %select_n3A_74 = arith.constant 4 : i32
      %select_n3A_75 = arith.select %eq3A_73, %select_n3A_74, %select_n3A_71 : i32
      %add3A_76 = arith.addi %select_n3A_75, %mul3A_6 : i32
      %sub3A_77 = arith.constant 1 : i32
      %sub3A_78 = arith.subi %select_n3A_75, %sub3A_77 : i32
      %select_n3A_79 = arith.constant true
      %select_n3A_80 = arith.select %select_n3A_79, %sub3A_78, %select_n3A_75 : i32
      %eq3A_81 = arith.constant -1 : i32
      %eq3A_82 = arith.cmpi eq, %select_n3A_80, %eq3A_81 : i32
      %select_n3A_83 = arith.constant 4 : i32
      %select_n3A_84 = arith.select %eq3A_82, %select_n3A_83, %select_n3A_80 : i32
      %add3A_85 = arith.addi %select_n3A_84, %mul3A_6 : i32
      %add3A_86 = arith.constant 1 : i32
      %add3A_87 = arith.addi %select_n3A_75, %add3A_86 : i32
      %select_n3A_88 = arith.constant true
      %select_n3A_89 = arith.select %select_n3A_88, %add3A_87, %select_n3A_75 : i32
      %eq3A_90 = arith.constant 5 : i32
      %eq3A_91 = arith.cmpi eq, %select_n3A_89, %eq3A_90 : i32
      %select_n3A_92 = arith.constant 0 : i32
      %select_n3A_93 = arith.select %eq3A_91, %select_n3A_92, %select_n3A_89 : i32
      %add3A_94 = arith.addi %select_n3A_93, %mul3A_6 : i32
      %add3A_95 = arith.constant 1 : i32
      %add3A_96 = arith.addi %select_n3A_93, %add3A_95 : i32
      %select_n3A_97 = arith.constant true
      %select_n3A_98 = arith.select %select_n3A_97, %add3A_96, %select_n3A_93 : i32
      %eq3A_99 = arith.constant 5 : i32
      %eq3A_100 = arith.cmpi eq, %select_n3A_98, %eq3A_99 : i32
      %select_n3A_101 = arith.constant 0 : i32
      %select_n3A_102 = arith.select %eq3A_100, %select_n3A_101, %select_n3A_98 : i32
      %add3A_103 = arith.addi %select_n3A_102, %mul3A_6 : i32
      "tpu.trace_start"() <{level = 10 : i32, message = "ep_finalize"}> : () -> ()
      %rem3A_104 = arith.constant 2 : i32
      %rem3A_105 = arith.remui %scan3A_67#3, %rem3A_104 : i32
      %mul3A_106 = arith.constant 128 : i32
      %mul3A_107 = arith.muli %mul3A_106, %add3A_76 : i32
      %dma_wait3A = arith.constant 0 : i32
      %dma_wait3A_108 = arith.constant 0 : i32
      %dma_wait3A_109 = tpu.memref_slice %run_scoped3A_8[%rem3A_105, %dma_wait3A, %dma_wait3A_108] : memref<2x128x128xf32, #tpu.memory_space<vmem>> -> memref<1x128x128xf32, #tpu.memory_space<vmem>>
      %dma_wait3A_110 = tpu.memref_squeeze %dma_wait3A_109 : memref<1x128x128xf32, #tpu.memory_space<vmem>> -> memref<128x128xf32, #tpu.memory_space<vmem>>
      %dma_wait3A_111 = arith.constant 0 : i32
      %dma_wait3A_112 = tpu.memref_slice %arg4[%mul3A_107, %dma_wait3A_111] : memref<20480x128xf32, #tpu.memory_space<hbm>> -> memref<128x128xf32, #tpu.memory_space<hbm>>
      %dma_wait3A_113 = tpu.memref_slice %run_scoped3A_9[%rem3A_105] : memref<2x!tpu.dma_semaphore, #tpu.memory_space<semaphore_mem>> -> memref<1x!tpu.dma_semaphore, #tpu.memory_space<semaphore_mem>>
      %dma_wait3A_114 = tpu.memref_squeeze %dma_wait3A_113 : memref<1x!tpu.dma_semaphore, #tpu.memory_space<semaphore_mem>> -> memref<!tpu.dma_semaphore, #tpu.memory_space<semaphore_mem>>
      %dma_wait3A_115 = arith.constant 0 : i32
      %dma_wait3A_116 = tpu.memref_slice %arg4[%mul3A_107, %dma_wait3A_115] : memref<20480x128xf32, #tpu.memory_space<hbm>> -> memref<128x128xf32, #tpu.memory_space<hbm>>
      %dma_wait3A_117 = arith.constant 0 : i32
      %dma_wait3A_118 = arith.constant 0 : i32
      %dma_wait3A_119 = tpu.memref_slice %run_scoped3A_8[%rem3A_105, %dma_wait3A_117, %dma_wait3A_118] : memref<2x128x128xf32, #tpu.memory_space<vmem>> -> memref<1x128x128xf32, #tpu.memory_space<vmem>>
      %dma_wait3A_120 = tpu.memref_squeeze %dma_wait3A_119 : memref<1x128x128xf32, #tpu.memory_space<vmem>> -> memref<128x128xf32, #tpu.memory_space<vmem>>
      tpu.wait_dma2 semaphore(%dma_wait3A_114 : memref<!tpu.dma_semaphore, #tpu.memory_space<semaphore_mem>>) src(%dma_wait3A_120 : memref<128x128xf32, #tpu.memory_space<vmem>>) dst(%dma_wait3A_116 : memref<128x128xf32, #tpu.memory_space<hbm>>)
      "tpu.trace_stop"() : () -> ()
      tpu.yield
    }) : () -> ()
    return
  }
}

module attributes {stable_mosaic.version = 14 : i64} {
  func.func @_fused_body(%arg0: i32, %arg1: memref<20x32x128xf32, #tpu.memory_space<vmem>>, %arg2: memref<80x100352xbf16, #tpu.memory_space<vmem>>, %arg3: memref<32x100352xf32, #tpu.memory_space<vmem>>, %arg4: memref<32x1xf32, #tpu.memory_space<vmem>>) attributes {dimension_semantics = [#tpu.dimension_semantics<arbitrary>], iteration_bounds = array<i64: 32>, scalar_prefetch = 0 : i64, scratch_operands = 0 : i64, tpu.core_type = #tpu.core_type<tc>, window_params = [{transform_indices = @transform_0, window_bounds = array<i64: 20, 32, 128>}, {pipeline_mode = #tpu.pipeline_mode<synchronous>, transform_indices = @transform_1, window_bounds = array<i64: 80, 100352>}, {transform_indices = @transform_2, window_bounds = array<i64: 32, 100352>}, {transform_indices = @transform_3, window_bounds = array<i64: 32, 1>}]} {
    %get3A = arith.constant 0 : index
    %get3A_0 = arith.constant 0 : index
    %get3A_1 = arith.constant 0 : index
    %get3A_2 = vector.load %arg1[%get3A, %get3A_0, %get3A_1] : memref<20x32x128xf32, #tpu.memory_space<vmem>>, vector<20x32x128xf32>
    %reduce_sum3A = arith.constant dense<0.000000e+00> : vector<32x128xf32>
    %reduce_sum3A_3 = vector.multi_reduction <add>, %get3A_2, %reduce_sum3A [0] : vector<20x32x128xf32> to vector<32x128xf32>
    %iota3A = tpu.iota {dimensions = array<i32: 1>} : vector<32x128xi32>
    %eq3A = arith.constant 64 : i32
    %eq3A_4 = vector.broadcast %eq3A : i32 to vector<32x128xi32>
    %eq3A_5 = arith.cmpi eq, %iota3A, %eq3A_4 : vector<32x128xi32>
    %jit3A = arith.constant 1.000000e+00 : f32
    %broadcast_in_dim3A = vector.broadcast %jit3A : f32 to vector<32x128xf32>
    %select_n3A = arith.select %eq3A_5, %broadcast_in_dim3A, %reduce_sum3A_3 : vector<32x128xi1>, vector<32x128xf32>
    %slice3A = vector.extract_strided_slice %select_n3A {offsets = [0, 0], sizes = [32, 80], strides = [1, 1]} : vector<32x128xf32> to vector<32x80xf32>
    %convert_element_type3A = arith.truncf %slice3A : vector<32x80xf32> to vector<32x80xbf16>
    %broadcast_in_dim3A_6 = arith.constant -1.000000e+30 : f32
    %broadcast_in_dim3A_7 = vector.broadcast %broadcast_in_dim3A_6 : f32 to vector<32x1xf32>
    %broadcast_in_dim3A_8 = arith.constant 0.000000e+00 : f32
    %broadcast_in_dim3A_9 = vector.broadcast %broadcast_in_dim3A_8 : f32 to vector<32x1xf32>
    %get3A_10 = arith.constant 0 : index
    %get3A_11 = arith.constant 0 : index
    %get3A_12 = vector.load %arg2[%get3A_10, %get3A_11] : memref<80x100352xbf16, #tpu.memory_space<vmem>>, vector<80x2048xbf16>
    %dot_general3A = arith.constant dense<0.000000e+00> : vector<32x2048xf32>
    %dot_general3A_13 = tpu.matmul %convert_element_type3A, %get3A_12, %dot_general3A {dimension_numbers = #tpu.dot_dimension_numbers<[1], [0], [0], [1], [0, 0, 1, 1], [], []>, transpose_lhs_hint = false} : vector<32x80xbf16>, vector<80x2048xbf16>, vector<32x2048xf32> -> vector<32x2048xf32>
    %reduce_max3A = arith.constant dense<0xFF800000> : vector<32xf32>
    %reduce_max3A_14 = vector.multi_reduction <maximumf>, %dot_general3A_13, %reduce_max3A [1] : vector<32x2048xf32> to vector<32xf32>
    %broadcast_in_dim3A_15 = vector.shape_cast %reduce_max3A_14 : vector<32xf32> to vector<32x1xf32>
    %max3A = arith.maximumf %broadcast_in_dim3A_7, %broadcast_in_dim3A_15 : vector<32x1xf32>
    %sub3A = vector.broadcast %max3A : vector<32x1xf32> to vector<32x2048xf32>
    %sub3A_16 = arith.subf %dot_general3A_13, %sub3A : vector<32x2048xf32>
    %convert_element_type3A_17 = arith.truncf %sub3A_16 : vector<32x2048xf32> to vector<32x2048xbf16>
    %exp3A = math.exp %convert_element_type3A_17 : vector<32x2048xbf16>
    %convert_element_type3A_18 = arith.extf %exp3A : vector<32x2048xbf16> to vector<32x2048xf32>
    %sub3A_19 = arith.subf %broadcast_in_dim3A_7, %max3A : vector<32x1xf32>
    %exp3A_20 = math.exp %sub3A_19 : vector<32x1xf32>
    %mul3A = arith.mulf %broadcast_in_dim3A_9, %exp3A_20 : vector<32x1xf32>
    %reduce_sum3A_21 = arith.constant dense<0.000000e+00> : vector<32xf32>
    %reduce_sum3A_22 = vector.multi_reduction <add>, %convert_element_type3A_18, %reduce_sum3A_21 [1] : vector<32x2048xf32> to vector<32xf32>
    %broadcast_in_dim3A_23 = vector.shape_cast %reduce_sum3A_22 : vector<32xf32> to vector<32x1xf32>
    %add3A = arith.addf %mul3A, %broadcast_in_dim3A_23 : vector<32x1xf32>
    %swap3A = arith.constant 0 : index
    %swap3A_24 = arith.constant 0 : index
    %swap3A_25 = vector.load %arg3[%swap3A, %swap3A_24] : memref<32x100352xf32, #tpu.memory_space<vmem>>, vector<32x2048xf32>
    tpu.vector_store %arg3[%swap3A, %swap3A_24], %dot_general3A_13 {strides = array<i32>} : memref<32x100352xf32, #tpu.memory_space<vmem>>, vector<32x2048xf32>,
    %get3A_26 = arith.constant 0 : index
    %get3A_27 = arith.constant 2048 : index
    %get3A_28 = vector.load %arg2[%get3A_26, %get3A_27] : memref<80x100352xbf16, #tpu.memory_space<vmem>>, vector<80x2048xbf16>
    %dot_general3A_29 = arith.constant dense<0.000000e+00> : vector<32x2048xf32>
    %dot_general3A_30 = tpu.matmul %convert_element_type3A, %get3A_28, %dot_general3A_29 {dimension_numbers = #tpu.dot_dimension_numbers<[1], [0], [0], [1], [0, 0, 1, 1], [], []>, transpose_lhs_hint = false} : vector<32x80xbf16>, vector<80x2048xbf16>, vector<32x2048xf32> -> vector<32x2048xf32>
    %reduce_max3A_31 = arith.constant dense<0xFF800000> : vector<32xf32>
    %reduce_max3A_32 = vector.multi_reduction <maximumf>, %dot_general3A_30, %reduce_max3A_31 [1] : vector<32x2048xf32> to vector<32xf32>
    %broadcast_in_dim3A_33 = vector.shape_cast %reduce_max3A_32 : vector<32xf32> to vector<32x1xf32>
    %max3A_34 = arith.maximumf %max3A, %broadcast_in_dim3A_33 : vector<32x1xf32>
    %sub3A_35 = vector.broadcast %max3A_34 : vector<32x1xf32> to vector<32x2048xf32>
    %sub3A_36 = arith.subf %dot_general3A_30, %sub3A_35 : vector<32x2048xf32>
    %convert_element_type3A_37 = arith.truncf %sub3A_36 : vector<32x2048xf32> to vector<32x2048xbf16>
    %exp3A_38 = math.exp %convert_element_type3A_37 : vector<32x2048xbf16>
    %convert_element_type3A_39 = arith.extf %exp3A_38 : vector<32x2048xbf16> to vector<32x2048xf32>
    %sub3A_40 = arith.subf %max3A, %max3A_34 : vector<32x1xf32>
    %exp3A_41 = math.exp %sub3A_40 : vector<32x1xf32>
    %mul3A_42 = arith.mulf %add3A, %exp3A_41 : vector<32x1xf32>
    %reduce_sum3A_43 = arith.constant dense<0.000000e+00> : vector<32xf32>
    %reduce_sum3A_44 = vector.multi_reduction <add>, %convert_element_type3A_39, %reduce_sum3A_43 [1] : vector<32x2048xf32> to vector<32xf32>
    %broadcast_in_dim3A_45 = vector.shape_cast %reduce_sum3A_44 : vector<32xf32> to vector<32x1xf32>
    %add3A_46 = arith.addf %mul3A_42, %broadcast_in_dim3A_45 : vector<32x1xf32>
    %swap3A_47 = arith.constant 0 : index
    %swap3A_48 = arith.constant 2048 : index
    %swap3A_49 = vector.load %arg3[%swap3A_47, %swap3A_48] : memref<32x100352xf32, #tpu.memory_space<vmem>>, vector<32x2048xf32>
    tpu.vector_store %arg3[%swap3A_47, %swap3A_48], %dot_general3A_30 {strides = array<i32>} : memref<32x100352xf32, #tpu.memory_space<vmem>>, vector<32x2048xf32>,
    %get3A_50 = arith.constant 0 : index
    %get3A_51 = arith.constant 4096 : index
    %get3A_52 = vector.load %arg2[%get3A_50, %get3A_51] : memref<80x100352xbf16, #tpu.memory_space<vmem>>, vector<80x2048xbf16>
    %dot_general3A_53 = arith.constant dense<0.000000e+00> : vector<32x2048xf32>
    %dot_general3A_54 = tpu.matmul %convert_element_type3A, %get3A_52, %dot_general3A_53 {dimension_numbers = #tpu.dot_dimension_numbers<[1], [0], [0], [1], [0, 0, 1, 1], [], []>, transpose_lhs_hint = false} : vector<32x80xbf16>, vector<80x2048xbf16>, vector<32x2048xf32> -> vector<32x2048xf32>
    %reduce_max3A_55 = arith.constant dense<0xFF800000> : vector<32xf32>
    %reduce_max3A_56 = vector.multi_reduction <maximumf>, %dot_general3A_54, %reduce_max3A_55 [1] : vector<32x2048xf32> to vector<32xf32>
    %broadcast_in_dim3A_57 = vector.shape_cast %reduce_max3A_56 : vector<32xf32> to vector<32x1xf32>
    %max3A_58 = arith.maximumf %max3A_34, %broadcast_in_dim3A_57 : vector<32x1xf32>
    %sub3A_59 = vector.broadcast %max3A_58 : vector<32x1xf32> to vector<32x2048xf32>
    %sub3A_60 = arith.subf %dot_general3A_54, %sub3A_59 : vector<32x2048xf32>
    %convert_element_type3A_61 = arith.truncf %sub3A_60 : vector<32x2048xf32> to vector<32x2048xbf16>
    %exp3A_62 = math.exp %convert_element_type3A_61 : vector<32x2048xbf16>
    %convert_element_type3A_63 = arith.extf %exp3A_62 : vector<32x2048xbf16> to vector<32x2048xf32>
    %sub3A_64 = arith.subf %max3A_34, %max3A_58 : vector<32x1xf32>
    %exp3A_65 = math.exp %sub3A_64 : vector<32x1xf32>
    %mul3A_66 = arith.mulf %add3A_46, %exp3A_65 : vector<32x1xf32>
    %reduce_sum3A_67 = arith.constant dense<0.000000e+00> : vector<32xf32>
    %reduce_sum3A_68 = vector.multi_reduction <add>, %convert_element_type3A_63, %reduce_sum3A_67 [1] : vector<32x2048xf32> to vector<32xf32>
    %broadcast_in_dim3A_69 = vector.shape_cast %reduce_sum3A_68 : vector<32xf32> to vector<32x1xf32>
    %add3A_70 = arith.addf %mul3A_66, %broadcast_in_dim3A_69 : vector<32x1xf32>
    %swap3A_71 = arith.constant 0 : index
    %swap3A_72 = arith.constant 4096 : index
    %swap3A_73 = vector.load %arg3[%swap3A_71, %swap3A_72] : memref<32x100352xf32, #tpu.memory_space<vmem>>, vector<32x2048xf32>
    tpu.vector_store %arg3[%swap3A_71, %swap3A_72], %dot_general3A_54 {strides = array<i32>} : memref<32x100352xf32, #tpu.memory_space<vmem>>, vector<32x2048xf32>,
    %get3A_74 = arith.constant 0 : index
    %get3A_75 = arith.constant 6144 : index
    %get3A_76 = vector.load %arg2[%get3A_74, %get3A_75] : memref<80x100352xbf16, #tpu.memory_space<vmem>>, vector<80x2048xbf16>
    %dot_general3A_77 = arith.constant dense<0.000000e+00> : vector<32x2048xf32>
    %dot_general3A_78 = tpu.matmul %convert_element_type3A, %get3A_76, %dot_general3A_77 {dimension_numbers = #tpu.dot_dimension_numbers<[1], [0], [0], [1], [0, 0, 1, 1], [], []>, transpose_lhs_hint = false} : vector<32x80xbf16>, vector<80x2048xbf16>, vector<32x2048xf32> -> vector<32x2048xf32>
    %reduce_max3A_79 = arith.constant dense<0xFF800000> : vector<32xf32>
    %reduce_max3A_80 = vector.multi_reduction <maximumf>, %dot_general3A_78, %reduce_max3A_79 [1] : vector<32x2048xf32> to vector<32xf32>
    %broadcast_in_dim3A_81 = vector.shape_cast %reduce_max3A_80 : vector<32xf32> to vector<32x1xf32>
    %max3A_82 = arith.maximumf %max3A_58, %broadcast_in_dim3A_81 : vector<32x1xf32>
    %sub3A_83 = vector.broadcast %max3A_82 : vector<32x1xf32> to vector<32x2048xf32>
    %sub3A_84 = arith.subf %dot_general3A_78, %sub3A_83 : vector<32x2048xf32>
    %convert_element_type3A_85 = arith.truncf %sub3A_84 : vector<32x2048xf32> to vector<32x2048xbf16>
    %exp3A_86 = math.exp %convert_element_type3A_85 : vector<32x2048xbf16>
    %convert_element_type3A_87 = arith.extf %exp3A_86 : vector<32x2048xbf16> to vector<32x2048xf32>
    %sub3A_88 = arith.subf %max3A_58, %max3A_82 : vector<32x1xf32>
    %exp3A_89 = math.exp %sub3A_88 : vector<32x1xf32>
    %mul3A_90 = arith.mulf %add3A_70, %exp3A_89 : vector<32x1xf32>
    %reduce_sum3A_91 = arith.constant dense<0.000000e+00> : vector<32xf32>
    %reduce_sum3A_92 = vector.multi_reduction <add>, %convert_element_type3A_87, %reduce_sum3A_91 [1] : vector<32x2048xf32> to vector<32xf32>
    %broadcast_in_dim3A_93 = vector.shape_cast %reduce_sum3A_92 : vector<32xf32> to vector<32x1xf32>
    %add3A_94 = arith.addf %mul3A_90, %broadcast_in_dim3A_93 : vector<32x1xf32>
    %swap3A_95 = arith.constant 0 : index
    %swap3A_96 = arith.constant 6144 : index
    %swap3A_97 = vector.load %arg3[%swap3A_95, %swap3A_96] : memref<32x100352xf32, #tpu.memory_space<vmem>>, vector<32x2048xf32>
    tpu.vector_store %arg3[%swap3A_95, %swap3A_96], %dot_general3A_78 {strides = array<i32>} : memref<32x100352xf32, #tpu.memory_space<vmem>>, vector<32x2048xf32>,
    %get3A_98 = arith.constant 0 : index
    %get3A_99 = arith.constant 8192 : index
    %get3A_100 = vector.load %arg2[%get3A_98, %get3A_99] : memref<80x100352xbf16, #tpu.memory_space<vmem>>, vector<80x2048xbf16>
    %dot_general3A_101 = arith.constant dense<0.000000e+00> : vector<32x2048xf32>
    %dot_general3A_102 = tpu.matmul %convert_element_type3A, %get3A_100, %dot_general3A_101 {dimension_numbers = #tpu.dot_dimension_numbers<[1], [0], [0], [1], [0, 0, 1, 1], [], []>, transpose_lhs_hint = false} : vector<32x80xbf16>, vector<80x2048xbf16>, vector<32x2048xf32> -> vector<32x2048xf32>
    %reduce_max3A_103 = arith.constant dense<0xFF800000> : vector<32xf32>
    %reduce_max3A_104 = vector.multi_reduction <maximumf>, %dot_general3A_102, %reduce_max3A_103 [1] : vector<32x2048xf32> to vector<32xf32>
    %broadcast_in_dim3A_105 = vector.shape_cast %reduce_max3A_104 : vector<32xf32> to vector<32x1xf32>
    %max3A_106 = arith.maximumf %max3A_82, %broadcast_in_dim3A_105 : vector<32x1xf32>
    %sub3A_107 = vector.broadcast %max3A_106 : vector<32x1xf32> to vector<32x2048xf32>
    %sub3A_108 = arith.subf %dot_general3A_102, %sub3A_107 : vector<32x2048xf32>
    %convert_element_type3A_109 = arith.truncf %sub3A_108 : vector<32x2048xf32> to vector<32x2048xbf16>
    %exp3A_110 = math.exp %convert_element_type3A_109 : vector<32x2048xbf16>
    %convert_element_type3A_111 = arith.extf %exp3A_110 : vector<32x2048xbf16> to vector<32x2048xf32>
    %sub3A_112 = arith.subf %max3A_82, %max3A_106 : vector<32x1xf32>
    %exp3A_113 = math.exp %sub3A_112 : vector<32x1xf32>
    %mul3A_114 = arith.mulf %add3A_94, %exp3A_113 : vector<32x1xf32>
    %reduce_sum3A_115 = arith.constant dense<0.000000e+00> : vector<32xf32>
    %reduce_sum3A_116 = vector.multi_reduction <add>, %convert_element_type3A_111, %reduce_sum3A_115 [1] : vector<32x2048xf32> to vector<32xf32>
    %broadcast_in_dim3A_117 = vector.shape_cast %reduce_sum3A_116 : vector<32xf32> to vector<32x1xf32>
    %add3A_118 = arith.addf %mul3A_114, %broadcast_in_dim3A_117 : vector<32x1xf32>
    %swap3A_119 = arith.constant 0 : index
    %swap3A_120 = arith.constant 8192 : index
    %swap3A_121 = vector.load %arg3[%swap3A_119, %swap3A_120] : memref<32x100352xf32, #tpu.memory_space<vmem>>, vector<32x2048xf32>
    tpu.vector_store %arg3[%swap3A_119, %swap3A_120], %dot_general3A_102 {strides = array<i32>} : memref<32x100352xf32, #tpu.memory_space<vmem>>, vector<32x2048xf32>,
    %get3A_122 = arith.constant 0 : index
    %get3A_123 = arith.constant 10240 : index
    %get3A_124 = vector.load %arg2[%get3A_122, %get3A_123] : memref<80x100352xbf16, #tpu.memory_space<vmem>>, vector<80x2048xbf16>
    %dot_general3A_125 = arith.constant dense<0.000000e+00> : vector<32x2048xf32>
    %dot_general3A_126 = tpu.matmul %convert_element_type3A, %get3A_124, %dot_general3A_125 {dimension_numbers = #tpu.dot_dimension_numbers<[1], [0], [0], [1], [0, 0, 1, 1], [], []>, transpose_lhs_hint = false} : vector<32x80xbf16>, vector<80x2048xbf16>, vector<32x2048xf32> -> vector<32x2048xf32>
    %reduce_max3A_127 = arith.constant dense<0xFF800000> : vector<32xf32>
    %reduce_max3A_128 = vector.multi_reduction <maximumf>, %dot_general3A_126, %reduce_max3A_127 [1] : vector<32x2048xf32> to vector<32xf32>
    %broadcast_in_dim3A_129 = vector.shape_cast %reduce_max3A_128 : vector<32xf32> to vector<32x1xf32>
    %max3A_130 = arith.maximumf %max3A_106, %broadcast_in_dim3A_129 : vector<32x1xf32>
    %sub3A_131 = vector.broadcast %max3A_130 : vector<32x1xf32> to vector<32x2048xf32>
    %sub3A_132 = arith.subf %dot_general3A_126, %sub3A_131 : vector<32x2048xf32>
    %convert_element_type3A_133 = arith.truncf %sub3A_132 : vector<32x2048xf32> to vector<32x2048xbf16>
    %exp3A_134 = math.exp %convert_element_type3A_133 : vector<32x2048xbf16>
    %convert_element_type3A_135 = arith.extf %exp3A_134 : vector<32x2048xbf16> to vector<32x2048xf32>
    %sub3A_136 = arith.subf %max3A_106, %max3A_130 : vector<32x1xf32>
    %exp3A_137 = math.exp %sub3A_136 : vector<32x1xf32>
    %mul3A_138 = arith.mulf %add3A_118, %exp3A_137 : vector<32x1xf32>
    %reduce_sum3A_139 = arith.constant dense<0.000000e+00> : vector<32xf32>
    %reduce_sum3A_140 = vector.multi_reduction <add>, %convert_element_type3A_135, %reduce_sum3A_139 [1] : vector<32x2048xf32> to vector<32xf32>
    %broadcast_in_dim3A_141 = vector.shape_cast %reduce_sum3A_140 : vector<32xf32> to vector<32x1xf32>
    %add3A_142 = arith.addf %mul3A_138, %broadcast_in_dim3A_141 : vector<32x1xf32>
    %swap3A_143 = arith.constant 0 : index
    %swap3A_144 = arith.constant 10240 : index
    %swap3A_145 = vector.load %arg3[%swap3A_143, %swap3A_144] : memref<32x100352xf32, #tpu.memory_space<vmem>>, vector<32x2048xf32>
    tpu.vector_store %arg3[%swap3A_143, %swap3A_144], %dot_general3A_126 {strides = array<i32>} : memref<32x100352xf32, #tpu.memory_space<vmem>>, vector<32x2048xf32>,
    %get3A_146 = arith.constant 0 : index
    %get3A_147 = arith.constant 12288 : index
    %get3A_148 = vector.load %arg2[%get3A_146, %get3A_147] : memref<80x100352xbf16, #tpu.memory_space<vmem>>, vector<80x2048xbf16>
    %dot_general3A_149 = arith.constant dense<0.000000e+00> : vector<32x2048xf32>
    %dot_general3A_150 = tpu.matmul %convert_element_type3A, %get3A_148, %dot_general3A_149 {dimension_numbers = #tpu.dot_dimension_numbers<[1], [0], [0], [1], [0, 0, 1, 1], [], []>, transpose_lhs_hint = false} : vector<32x80xbf16>, vector<80x2048xbf16>, vector<32x2048xf32> -> vector<32x2048xf32>
    %reduce_max3A_151 = arith.constant dense<0xFF800000> : vector<32xf32>
    %reduce_max3A_152 = vector.multi_reduction <maximumf>, %dot_general3A_150, %reduce_max3A_151 [1] : vector<32x2048xf32> to vector<32xf32>
    %broadcast_in_dim3A_153 = vector.shape_cast %reduce_max3A_152 : vector<32xf32> to vector<32x1xf32>
    %max3A_154 = arith.maximumf %max3A_130, %broadcast_in_dim3A_153 : vector<32x1xf32>
    %sub3A_155 = vector.broadcast %max3A_154 : vector<32x1xf32> to vector<32x2048xf32>
    %sub3A_156 = arith.subf %dot_general3A_150, %sub3A_155 : vector<32x2048xf32>
    %convert_element_type3A_157 = arith.truncf %sub3A_156 : vector<32x2048xf32> to vector<32x2048xbf16>
    %exp3A_158 = math.exp %convert_element_type3A_157 : vector<32x2048xbf16>
    %convert_element_type3A_159 = arith.extf %exp3A_158 : vector<32x2048xbf16> to vector<32x2048xf32>
    %sub3A_160 = arith.subf %max3A_130, %max3A_154 : vector<32x1xf32>
    %exp3A_161 = math.exp %sub3A_160 : vector<32x1xf32>
    %mul3A_162 = arith.mulf %add3A_142, %exp3A_161 : vector<32x1xf32>
    %reduce_sum3A_163 = arith.constant dense<0.000000e+00> : vector<32xf32>
    %reduce_sum3A_164 = vector.multi_reduction <add>, %convert_element_type3A_159, %reduce_sum3A_163 [1] : vector<32x2048xf32> to vector<32xf32>
    %broadcast_in_dim3A_165 = vector.shape_cast %reduce_sum3A_164 : vector<32xf32> to vector<32x1xf32>
    %add3A_166 = arith.addf %mul3A_162, %broadcast_in_dim3A_165 : vector<32x1xf32>
    %swap3A_167 = arith.constant 0 : index
    %swap3A_168 = arith.constant 12288 : index
    %swap3A_169 = vector.load %arg3[%swap3A_167, %swap3A_168] : memref<32x100352xf32, #tpu.memory_space<vmem>>, vector<32x2048xf32>
    tpu.vector_store %arg3[%swap3A_167, %swap3A_168], %dot_general3A_150 {strides = array<i32>} : memref<32x100352xf32, #tpu.memory_space<vmem>>, vector<32x2048xf32>,
    %get3A_170 = arith.constant 0 : index
    %get3A_171 = arith.constant 14336 : index
    %get3A_172 = vector.load %arg2[%get3A_170, %get3A_171] : memref<80x100352xbf16, #tpu.memory_space<vmem>>, vector<80x2048xbf16>
    %dot_general3A_173 = arith.constant dense<0.000000e+00> : vector<32x2048xf32>
    %dot_general3A_174 = tpu.matmul %convert_element_type3A, %get3A_172, %dot_general3A_173 {dimension_numbers = #tpu.dot_dimension_numbers<[1], [0], [0], [1], [0, 0, 1, 1], [], []>, transpose_lhs_hint = false} : vector<32x80xbf16>, vector<80x2048xbf16>, vector<32x2048xf32> -> vector<32x2048xf32>
    %reduce_max3A_175 = arith.constant dense<0xFF800000> : vector<32xf32>
    %reduce_max3A_176 = vector.multi_reduction <maximumf>, %dot_general3A_174, %reduce_max3A_175 [1] : vector<32x2048xf32> to vector<32xf32>
    %broadcast_in_dim3A_177 = vector.shape_cast %reduce_max3A_176 : vector<32xf32> to vector<32x1xf32>
    %max3A_178 = arith.maximumf %max3A_154, %broadcast_in_dim3A_177 : vector<32x1xf32>
    %sub3A_179 = vector.broadcast %max3A_178 : vector<32x1xf32> to vector<32x2048xf32>
    %sub3A_180 = arith.subf %dot_general3A_174, %sub3A_179 : vector<32x2048xf32>
    %convert_element_type3A_181 = arith.truncf %sub3A_180 : vector<32x2048xf32> to vector<32x2048xbf16>
    %exp3A_182 = math.exp %convert_element_type3A_181 : vector<32x2048xbf16>
    %convert_element_type3A_183 = arith.extf %exp3A_182 : vector<32x2048xbf16> to vector<32x2048xf32>
    %sub3A_184 = arith.subf %max3A_154, %max3A_178 : vector<32x1xf32>
    %exp3A_185 = math.exp %sub3A_184 : vector<32x1xf32>
    %mul3A_186 = arith.mulf %add3A_166, %exp3A_185 : vector<32x1xf32>
    %reduce_sum3A_187 = arith.constant dense<0.000000e+00> : vector<32xf32>
    %reduce_sum3A_188 = vector.multi_reduction <add>, %convert_element_type3A_183, %reduce_sum3A_187 [1] : vector<32x2048xf32> to vector<32xf32>
    %broadcast_in_dim3A_189 = vector.shape_cast %reduce_sum3A_188 : vector<32xf32> to vector<32x1xf32>
    %add3A_190 = arith.addf %mul3A_186, %broadcast_in_dim3A_189 : vector<32x1xf32>
    %swap3A_191 = arith.constant 0 : index
    %swap3A_192 = arith.constant 14336 : index
    %swap3A_193 = vector.load %arg3[%swap3A_191, %swap3A_192] : memref<32x100352xf32, #tpu.memory_space<vmem>>, vector<32x2048xf32>
    tpu.vector_store %arg3[%swap3A_191, %swap3A_192], %dot_general3A_174 {strides = array<i32>} : memref<32x100352xf32, #tpu.memory_space<vmem>>, vector<32x2048xf32>,
    %get3A_194 = arith.constant 0 : index
    %get3A_195 = arith.constant 16384 : index
    %get3A_196 = vector.load %arg2[%get3A_194, %get3A_195] : memref<80x100352xbf16, #tpu.memory_space<vmem>>, vector<80x2048xbf16>
    %dot_general3A_197 = arith.constant dense<0.000000e+00> : vector<32x2048xf32>
    %dot_general3A_198 = tpu.matmul %convert_element_type3A, %get3A_196, %dot_general3A_197 {dimension_numbers = #tpu.dot_dimension_numbers<[1], [0], [0], [1], [0, 0, 1, 1], [], []>, transpose_lhs_hint = false} : vector<32x80xbf16>, vector<80x2048xbf16>, vector<32x2048xf32> -> vector<32x2048xf32>
    %reduce_max3A_199 = arith.constant dense<0xFF800000> : vector<32xf32>
    %reduce_max3A_200 = vector.multi_reduction <maximumf>, %dot_general3A_198, %reduce_max3A_199 [1] : vector<32x2048xf32> to vector<32xf32>
    %broadcast_in_dim3A_201 = vector.shape_cast %reduce_max3A_200 : vector<32xf32> to vector<32x1xf32>
    %max3A_202 = arith.maximumf %max3A_178, %broadcast_in_dim3A_201 : vector<32x1xf32>
    %sub3A_203 = vector.broadcast %max3A_202 : vector<32x1xf32> to vector<32x2048xf32>
    %sub3A_204 = arith.subf %dot_general3A_198, %sub3A_203 : vector<32x2048xf32>
    %convert_element_type3A_205 = arith.truncf %sub3A_204 : vector<32x2048xf32> to vector<32x2048xbf16>
    %exp3A_206 = math.exp %convert_element_type3A_205 : vector<32x2048xbf16>
    %convert_element_type3A_207 = arith.extf %exp3A_206 : vector<32x2048xbf16> to vector<32x2048xf32>
    %sub3A_208 = arith.subf %max3A_178, %max3A_202 : vector<32x1xf32>
    %exp3A_209 = math.exp %sub3A_208 : vector<32x1xf32>
    %mul3A_210 = arith.mulf %add3A_190, %exp3A_209 : vector<32x1xf32>
    %reduce_sum3A_211 = arith.constant dense<0.000000e+00> : vector<32xf32>
    %reduce_sum3A_212 = vector.multi_reduction <add>, %convert_element_type3A_207, %reduce_sum3A_211 [1] : vector<32x2048xf32> to vector<32xf32>
    %broadcast_in_dim3A_213 = vector.shape_cast %reduce_sum3A_212 : vector<32xf32> to vector<32x1xf32>
    %add3A_214 = arith.addf %mul3A_210, %broadcast_in_dim3A_213 : vector<32x1xf32>
    %swap3A_215 = arith.constant 0 : index
    %swap3A_216 = arith.constant 16384 : index
    %swap3A_217 = vector.load %arg3[%swap3A_215, %swap3A_216] : memref<32x100352xf32, #tpu.memory_space<vmem>>, vector<32x2048xf32>
    tpu.vector_store %arg3[%swap3A_215, %swap3A_216], %dot_general3A_198 {strides = array<i32>} : memref<32x100352xf32, #tpu.memory_space<vmem>>, vector<32x2048xf32>,
    %get3A_218 = arith.constant 0 : index
    %get3A_219 = arith.constant 18432 : index
    %get3A_220 = vector.load %arg2[%get3A_218, %get3A_219] : memref<80x100352xbf16, #tpu.memory_space<vmem>>, vector<80x2048xbf16>
    %dot_general3A_221 = arith.constant dense<0.000000e+00> : vector<32x2048xf32>
    %dot_general3A_222 = tpu.matmul %convert_element_type3A, %get3A_220, %dot_general3A_221 {dimension_numbers = #tpu.dot_dimension_numbers<[1], [0], [0], [1], [0, 0, 1, 1], [], []>, transpose_lhs_hint = false} : vector<32x80xbf16>, vector<80x2048xbf16>, vector<32x2048xf32> -> vector<32x2048xf32>
    %reduce_max3A_223 = arith.constant dense<0xFF800000> : vector<32xf32>
    %reduce_max3A_224 = vector.multi_reduction <maximumf>, %dot_general3A_222, %reduce_max3A_223 [1] : vector<32x2048xf32> to vector<32xf32>
    %broadcast_in_dim3A_225 = vector.shape_cast %reduce_max3A_224 : vector<32xf32> to vector<32x1xf32>
    %max3A_226 = arith.maximumf %max3A_202, %broadcast_in_dim3A_225 : vector<32x1xf32>
    %sub3A_227 = vector.broadcast %max3A_226 : vector<32x1xf32> to vector<32x2048xf32>
    %sub3A_228 = arith.subf %dot_general3A_222, %sub3A_227 : vector<32x2048xf32>
    %convert_element_type3A_229 = arith.truncf %sub3A_228 : vector<32x2048xf32> to vector<32x2048xbf16>
    %exp3A_230 = math.exp %convert_element_type3A_229 : vector<32x2048xbf16>
    %convert_element_type3A_231 = arith.extf %exp3A_230 : vector<32x2048xbf16> to vector<32x2048xf32>
    %sub3A_232 = arith.subf %max3A_202, %max3A_226 : vector<32x1xf32>
    %exp3A_233 = math.exp %sub3A_232 : vector<32x1xf32>
    %mul3A_234 = arith.mulf %add3A_214, %exp3A_233 : vector<32x1xf32>
    %reduce_sum3A_235 = arith.constant dense<0.000000e+00> : vector<32xf32>
    %reduce_sum3A_236 = vector.multi_reduction <add>, %convert_element_type3A_231, %reduce_sum3A_235 [1] : vector<32x2048xf32> to vector<32xf32>
    %broadcast_in_dim3A_237 = vector.shape_cast %reduce_sum3A_236 : vector<32xf32> to vector<32x1xf32>
    %add3A_238 = arith.addf %mul3A_234, %broadcast_in_dim3A_237 : vector<32x1xf32>
    %swap3A_239 = arith.constant 0 : index
    %swap3A_240 = arith.constant 18432 : index
    %swap3A_241 = vector.load %arg3[%swap3A_239, %swap3A_240] : memref<32x100352xf32, #tpu.memory_space<vmem>>, vector<32x2048xf32>
    tpu.vector_store %arg3[%swap3A_239, %swap3A_240], %dot_general3A_222 {strides = array<i32>} : memref<32x100352xf32, #tpu.memory_space<vmem>>, vector<32x2048xf32>,
    %get3A_242 = arith.constant 0 : index
    %get3A_243 = arith.constant 20480 : index
    %get3A_244 = vector.load %arg2[%get3A_242, %get3A_243] : memref<80x100352xbf16, #tpu.memory_space<vmem>>, vector<80x2048xbf16>
    %dot_general3A_245 = arith.constant dense<0.000000e+00> : vector<32x2048xf32>
    %dot_general3A_246 = tpu.matmul %convert_element_type3A, %get3A_244, %dot_general3A_245 {dimension_numbers = #tpu.dot_dimension_numbers<[1], [0], [0], [1], [0, 0, 1, 1], [], []>, transpose_lhs_hint = false} : vector<32x80xbf16>, vector<80x2048xbf16>, vector<32x2048xf32> -> vector<32x2048xf32>
    %reduce_max3A_247 = arith.constant dense<0xFF800000> : vector<32xf32>
    %reduce_max3A_248 = vector.multi_reduction <maximumf>, %dot_general3A_246, %reduce_max3A_247 [1] : vector<32x2048xf32> to vector<32xf32>
    %broadcast_in_dim3A_249 = vector.shape_cast %reduce_max3A_248 : vector<32xf32> to vector<32x1xf32>
    %max3A_250 = arith.maximumf %max3A_226, %broadcast_in_dim3A_249 : vector<32x1xf32>
    %sub3A_251 = vector.broadcast %max3A_250 : vector<32x1xf32> to vector<32x2048xf32>
    %sub3A_252 = arith.subf %dot_general3A_246, %sub3A_251 : vector<32x2048xf32>
    %convert_element_type3A_253 = arith.truncf %sub3A_252 : vector<32x2048xf32> to vector<32x2048xbf16>
    %exp3A_254 = math.exp %convert_element_type3A_253 : vector<32x2048xbf16>
    %convert_element_type3A_255 = arith.extf %exp3A_254 : vector<32x2048xbf16> to vector<32x2048xf32>
    %sub3A_256 = arith.subf %max3A_226, %max3A_250 : vector<32x1xf32>
    %exp3A_257 = math.exp %sub3A_256 : vector<32x1xf32>
    %mul3A_258 = arith.mulf %add3A_238, %exp3A_257 : vector<32x1xf32>
    %reduce_sum3A_259 = arith.constant dense<0.000000e+00> : vector<32xf32>
    %reduce_sum3A_260 = vector.multi_reduction <add>, %convert_element_type3A_255, %reduce_sum3A_259 [1] : vector<32x2048xf32> to vector<32xf32>
    %broadcast_in_dim3A_261 = vector.shape_cast %reduce_sum3A_260 : vector<32xf32> to vector<32x1xf32>
    %add3A_262 = arith.addf %mul3A_258, %broadcast_in_dim3A_261 : vector<32x1xf32>
    %swap3A_263 = arith.constant 0 : index
    %swap3A_264 = arith.constant 20480 : index
    %swap3A_265 = vector.load %arg3[%swap3A_263, %swap3A_264] : memref<32x100352xf32, #tpu.memory_space<vmem>>, vector<32x2048xf32>
    tpu.vector_store %arg3[%swap3A_263, %swap3A_264], %dot_general3A_246 {strides = array<i32>} : memref<32x100352xf32, #tpu.memory_space<vmem>>, vector<32x2048xf32>,
    %get3A_266 = arith.constant 0 : index
    %get3A_267 = arith.constant 22528 : index
    %get3A_268 = vector.load %arg2[%get3A_266, %get3A_267] : memref<80x100352xbf16, #tpu.memory_space<vmem>>, vector<80x2048xbf16>
    %dot_general3A_269 = arith.constant dense<0.000000e+00> : vector<32x2048xf32>
    %dot_general3A_270 = tpu.matmul %convert_element_type3A, %get3A_268, %dot_general3A_269 {dimension_numbers = #tpu.dot_dimension_numbers<[1], [0], [0], [1], [0, 0, 1, 1], [], []>, transpose_lhs_hint = false} : vector<32x80xbf16>, vector<80x2048xbf16>, vector<32x2048xf32> -> vector<32x2048xf32>
    %reduce_max3A_271 = arith.constant dense<0xFF800000> : vector<32xf32>
    %reduce_max3A_272 = vector.multi_reduction <maximumf>, %dot_general3A_270, %reduce_max3A_271 [1] : vector<32x2048xf32> to vector<32xf32>
    %broadcast_in_dim3A_273 = vector.shape_cast %reduce_max3A_272 : vector<32xf32> to vector<32x1xf32>
    %max3A_274 = arith.maximumf %max3A_250, %broadcast_in_dim3A_273 : vector<32x1xf32>
    %sub3A_275 = vector.broadcast %max3A_274 : vector<32x1xf32> to vector<32x2048xf32>
    %sub3A_276 = arith.subf %dot_general3A_270, %sub3A_275 : vector<32x2048xf32>
    %convert_element_type3A_277 = arith.truncf %sub3A_276 : vector<32x2048xf32> to vector<32x2048xbf16>
    %exp3A_278 = math.exp %convert_element_type3A_277 : vector<32x2048xbf16>
    %convert_element_type3A_279 = arith.extf %exp3A_278 : vector<32x2048xbf16> to vector<32x2048xf32>
    %sub3A_280 = arith.subf %max3A_250, %max3A_274 : vector<32x1xf32>
    %exp3A_281 = math.exp %sub3A_280 : vector<32x1xf32>
    %mul3A_282 = arith.mulf %add3A_262, %exp3A_281 : vector<32x1xf32>
    %reduce_sum3A_283 = arith.constant dense<0.000000e+00> : vector<32xf32>
    %reduce_sum3A_284 = vector.multi_reduction <add>, %convert_element_type3A_279, %reduce_sum3A_283 [1] : vector<32x2048xf32> to vector<32xf32>
    %broadcast_in_dim3A_285 = vector.shape_cast %reduce_sum3A_284 : vector<32xf32> to vector<32x1xf32>
    %add3A_286 = arith.addf %mul3A_282, %broadcast_in_dim3A_285 : vector<32x1xf32>
    %swap3A_287 = arith.constant 0 : index
    %swap3A_288 = arith.constant 22528 : index
    %swap3A_289 = vector.load %arg3[%swap3A_287, %swap3A_288] : memref<32x100352xf32, #tpu.memory_space<vmem>>, vector<32x2048xf32>
    tpu.vector_store %arg3[%swap3A_287, %swap3A_288], %dot_general3A_270 {strides = array<i32>} : memref<32x100352xf32, #tpu.memory_space<vmem>>, vector<32x2048xf32>,
    %get3A_290 = arith.constant 0 : index
    %get3A_291 = arith.constant 24576 : index
    %get3A_292 = vector.load %arg2[%get3A_290, %get3A_291] : memref<80x100352xbf16, #tpu.memory_space<vmem>>, vector<80x2048xbf16>
    %dot_general3A_293 = arith.constant dense<0.000000e+00> : vector<32x2048xf32>
    %dot_general3A_294 = tpu.matmul %convert_element_type3A, %get3A_292, %dot_general3A_293 {dimension_numbers = #tpu.dot_dimension_numbers<[1], [0], [0], [1], [0, 0, 1, 1], [], []>, transpose_lhs_hint = false} : vector<32x80xbf16>, vector<80x2048xbf16>, vector<32x2048xf32> -> vector<32x2048xf32>
    %reduce_max3A_295 = arith.constant dense<0xFF800000> : vector<32xf32>
    %reduce_max3A_296 = vector.multi_reduction <maximumf>, %dot_general3A_294, %reduce_max3A_295 [1] : vector<32x2048xf32> to vector<32xf32>
    %broadcast_in_dim3A_297 = vector.shape_cast %reduce_max3A_296 : vector<32xf32> to vector<32x1xf32>
    %max3A_298 = arith.maximumf %max3A_274, %broadcast_in_dim3A_297 : vector<32x1xf32>
    %sub3A_299 = vector.broadcast %max3A_298 : vector<32x1xf32> to vector<32x2048xf32>
    %sub3A_300 = arith.subf %dot_general3A_294, %sub3A_299 : vector<32x2048xf32>
    %convert_element_type3A_301 = arith.truncf %sub3A_300 : vector<32x2048xf32> to vector<32x2048xbf16>
    %exp3A_302 = math.exp %convert_element_type3A_301 : vector<32x2048xbf16>
    %convert_element_type3A_303 = arith.extf %exp3A_302 : vector<32x2048xbf16> to vector<32x2048xf32>
    %sub3A_304 = arith.subf %max3A_274, %max3A_298 : vector<32x1xf32>
    %exp3A_305 = math.exp %sub3A_304 : vector<32x1xf32>
    %mul3A_306 = arith.mulf %add3A_286, %exp3A_305 : vector<32x1xf32>
    %reduce_sum3A_307 = arith.constant dense<0.000000e+00> : vector<32xf32>
    %reduce_sum3A_308 = vector.multi_reduction <add>, %convert_element_type3A_303, %reduce_sum3A_307 [1] : vector<32x2048xf32> to vector<32xf32>
    %broadcast_in_dim3A_309 = vector.shape_cast %reduce_sum3A_308 : vector<32xf32> to vector<32x1xf32>
    %add3A_310 = arith.addf %mul3A_306, %broadcast_in_dim3A_309 : vector<32x1xf32>
    %swap3A_311 = arith.constant 0 : index
    %swap3A_312 = arith.constant 24576 : index
    %swap3A_313 = vector.load %arg3[%swap3A_311, %swap3A_312] : memref<32x100352xf32, #tpu.memory_space<vmem>>, vector<32x2048xf32>
    tpu.vector_store %arg3[%swap3A_311, %swap3A_312], %dot_general3A_294 {strides = array<i32>} : memref<32x100352xf32, #tpu.memory_space<vmem>>, vector<32x2048xf32>,
    %get3A_314 = arith.constant 0 : index
    %get3A_315 = arith.constant 26624 : index
    %get3A_316 = vector.load %arg2[%get3A_314, %get3A_315] : memref<80x100352xbf16, #tpu.memory_space<vmem>>, vector<80x2048xbf16>
    %dot_general3A_317 = arith.constant dense<0.000000e+00> : vector<32x2048xf32>
    %dot_general3A_318 = tpu.matmul %convert_element_type3A, %get3A_316, %dot_general3A_317 {dimension_numbers = #tpu.dot_dimension_numbers<[1], [0], [0], [1], [0, 0, 1, 1], [], []>, transpose_lhs_hint = false} : vector<32x80xbf16>, vector<80x2048xbf16>, vector<32x2048xf32> -> vector<32x2048xf32>
    %reduce_max3A_319 = arith.constant dense<0xFF800000> : vector<32xf32>
    %reduce_max3A_320 = vector.multi_reduction <maximumf>, %dot_general3A_318, %reduce_max3A_319 [1] : vector<32x2048xf32> to vector<32xf32>
    %broadcast_in_dim3A_321 = vector.shape_cast %reduce_max3A_320 : vector<32xf32> to vector<32x1xf32>
    %max3A_322 = arith.maximumf %max3A_298, %broadcast_in_dim3A_321 : vector<32x1xf32>
    %sub3A_323 = vector.broadcast %max3A_322 : vector<32x1xf32> to vector<32x2048xf32>
    %sub3A_324 = arith.subf %dot_general3A_318, %sub3A_323 : vector<32x2048xf32>
    %convert_element_type3A_325 = arith.truncf %sub3A_324 : vector<32x2048xf32> to vector<32x2048xbf16>
    %exp3A_326 = math.exp %convert_element_type3A_325 : vector<32x2048xbf16>
    %convert_element_type3A_327 = arith.extf %exp3A_326 : vector<32x2048xbf16> to vector<32x2048xf32>
    %sub3A_328 = arith.subf %max3A_298, %max3A_322 : vector<32x1xf32>
    %exp3A_329 = math.exp %sub3A_328 : vector<32x1xf32>
    %mul3A_330 = arith.mulf %add3A_310, %exp3A_329 : vector<32x1xf32>
    %reduce_sum3A_331 = arith.constant dense<0.000000e+00> : vector<32xf32>
    %reduce_sum3A_332 = vector.multi_reduction <add>, %convert_element_type3A_327, %reduce_sum3A_331 [1] : vector<32x2048xf32> to vector<32xf32>
    %broadcast_in_dim3A_333 = vector.shape_cast %reduce_sum3A_332 : vector<32xf32> to vector<32x1xf32>
    %add3A_334 = arith.addf %mul3A_330, %broadcast_in_dim3A_333 : vector<32x1xf32>
    %swap3A_335 = arith.constant 0 : index
    %swap3A_336 = arith.constant 26624 : index
    %swap3A_337 = vector.load %arg3[%swap3A_335, %swap3A_336] : memref<32x100352xf32, #tpu.memory_space<vmem>>, vector<32x2048xf32>
    tpu.vector_store %arg3[%swap3A_335, %swap3A_336], %dot_general3A_318 {strides = array<i32>} : memref<32x100352xf32, #tpu.memory_space<vmem>>, vector<32x2048xf32>,
    %get3A_338 = arith.constant 0 : index
    %get3A_339 = arith.constant 28672 : index
    %get3A_340 = vector.load %arg2[%get3A_338, %get3A_339] : memref<80x100352xbf16, #tpu.memory_space<vmem>>, vector<80x2048xbf16>
    %dot_general3A_341 = arith.constant dense<0.000000e+00> : vector<32x2048xf32>
    %dot_general3A_342 = tpu.matmul %convert_element_type3A, %get3A_340, %dot_general3A_341 {dimension_numbers = #tpu.dot_dimension_numbers<[1], [0], [0], [1], [0, 0, 1, 1], [], []>, transpose_lhs_hint = false} : vector<32x80xbf16>, vector<80x2048xbf16>, vector<32x2048xf32> -> vector<32x2048xf32>
    %reduce_max3A_343 = arith.constant dense<0xFF800000> : vector<32xf32>
    %reduce_max3A_344 = vector.multi_reduction <maximumf>, %dot_general3A_342, %reduce_max3A_343 [1] : vector<32x2048xf32> to vector<32xf32>
    %broadcast_in_dim3A_345 = vector.shape_cast %reduce_max3A_344 : vector<32xf32> to vector<32x1xf32>
    %max3A_346 = arith.maximumf %max3A_322, %broadcast_in_dim3A_345 : vector<32x1xf32>
    %sub3A_347 = vector.broadcast %max3A_346 : vector<32x1xf32> to vector<32x2048xf32>
    %sub3A_348 = arith.subf %dot_general3A_342, %sub3A_347 : vector<32x2048xf32>
    %convert_element_type3A_349 = arith.truncf %sub3A_348 : vector<32x2048xf32> to vector<32x2048xbf16>
    %exp3A_350 = math.exp %convert_element_type3A_349 : vector<32x2048xbf16>
    %convert_element_type3A_351 = arith.extf %exp3A_350 : vector<32x2048xbf16> to vector<32x2048xf32>
    %sub3A_352 = arith.subf %max3A_322, %max3A_346 : vector<32x1xf32>
    %exp3A_353 = math.exp %sub3A_352 : vector<32x1xf32>
    %mul3A_354 = arith.mulf %add3A_334, %exp3A_353 : vector<32x1xf32>
    %reduce_sum3A_355 = arith.constant dense<0.000000e+00> : vector<32xf32>
    %reduce_sum3A_356 = vector.multi_reduction <add>, %convert_element_type3A_351, %reduce_sum3A_355 [1] : vector<32x2048xf32> to vector<32xf32>
    %broadcast_in_dim3A_357 = vector.shape_cast %reduce_sum3A_356 : vector<32xf32> to vector<32x1xf32>
    %add3A_358 = arith.addf %mul3A_354, %broadcast_in_dim3A_357 : vector<32x1xf32>
    %swap3A_359 = arith.constant 0 : index
    %swap3A_360 = arith.constant 28672 : index
    %swap3A_361 = vector.load %arg3[%swap3A_359, %swap3A_360] : memref<32x100352xf32, #tpu.memory_space<vmem>>, vector<32x2048xf32>
    tpu.vector_store %arg3[%swap3A_359, %swap3A_360], %dot_general3A_342 {strides = array<i32>} : memref<32x100352xf32, #tpu.memory_space<vmem>>, vector<32x2048xf32>,
    %get3A_362 = arith.constant 0 : index
    %get3A_363 = arith.constant 30720 : index
    %get3A_364 = vector.load %arg2[%get3A_362, %get3A_363] : memref<80x100352xbf16, #tpu.memory_space<vmem>>, vector<80x2048xbf16>
    %dot_general3A_365 = arith.constant dense<0.000000e+00> : vector<32x2048xf32>
    %dot_general3A_366 = tpu.matmul %convert_element_type3A, %get3A_364, %dot_general3A_365 {dimension_numbers = #tpu.dot_dimension_numbers<[1], [0], [0], [1], [0, 0, 1, 1], [], []>, transpose_lhs_hint = false} : vector<32x80xbf16>, vector<80x2048xbf16>, vector<32x2048xf32> -> vector<32x2048xf32>
    %reduce_max3A_367 = arith.constant dense<0xFF800000> : vector<32xf32>
    %reduce_max3A_368 = vector.multi_reduction <maximumf>, %dot_general3A_366, %reduce_max3A_367 [1] : vector<32x2048xf32> to vector<32xf32>
    %broadcast_in_dim3A_369 = vector.shape_cast %reduce_max3A_368 : vector<32xf32> to vector<32x1xf32>
    %max3A_370 = arith.maximumf %max3A_346, %broadcast_in_dim3A_369 : vector<32x1xf32>
    %sub3A_371 = vector.broadcast %max3A_370 : vector<32x1xf32> to vector<32x2048xf32>
    %sub3A_372 = arith.subf %dot_general3A_366, %sub3A_371 : vector<32x2048xf32>
    %convert_element_type3A_373 = arith.truncf %sub3A_372 : vector<32x2048xf32> to vector<32x2048xbf16>
    %exp3A_374 = math.exp %convert_element_type3A_373 : vector<32x2048xbf16>
    %convert_element_type3A_375 = arith.extf %exp3A_374 : vector<32x2048xbf16> to vector<32x2048xf32>
    %sub3A_376 = arith.subf %max3A_346, %max3A_370 : vector<32x1xf32>
    %exp3A_377 = math.exp %sub3A_376 : vector<32x1xf32>
    %mul3A_378 = arith.mulf %add3A_358, %exp3A_377 : vector<32x1xf32>
    %reduce_sum3A_379 = arith.constant dense<0.000000e+00> : vector<32xf32>
    %reduce_sum3A_380 = vector.multi_reduction <add>, %convert_element_type3A_375, %reduce_sum3A_379 [1] : vector<32x2048xf32> to vector<32xf32>
    %broadcast_in_dim3A_381 = vector.shape_cast %reduce_sum3A_380 : vector<32xf32> to vector<32x1xf32>
    %add3A_382 = arith.addf %mul3A_378, %broadcast_in_dim3A_381 : vector<32x1xf32>
    %swap3A_383 = arith.constant 0 : index
    %swap3A_384 = arith.constant 30720 : index
    %swap3A_385 = vector.load %arg3[%swap3A_383, %swap3A_384] : memref<32x100352xf32, #tpu.memory_space<vmem>>, vector<32x2048xf32>
    tpu.vector_store %arg3[%swap3A_383, %swap3A_384], %dot_general3A_366 {strides = array<i32>} : memref<32x100352xf32, #tpu.memory_space<vmem>>, vector<32x2048xf32>,
    %get3A_386 = arith.constant 0 : index
    %get3A_387 = arith.constant 32768 : index
    %get3A_388 = vector.load %arg2[%get3A_386, %get3A_387] : memref<80x100352xbf16, #tpu.memory_space<vmem>>, vector<80x2048xbf16>
    %dot_general3A_389 = arith.constant dense<0.000000e+00> : vector<32x2048xf32>
    %dot_general3A_390 = tpu.matmul %convert_element_type3A, %get3A_388, %dot_general3A_389 {dimension_numbers = #tpu.dot_dimension_numbers<[1], [0], [0], [1], [0, 0, 1, 1], [], []>, transpose_lhs_hint = false} : vector<32x80xbf16>, vector<80x2048xbf16>, vector<32x2048xf32> -> vector<32x2048xf32>
    %reduce_max3A_391 = arith.constant dense<0xFF800000> : vector<32xf32>
    %reduce_max3A_392 = vector.multi_reduction <maximumf>, %dot_general3A_390, %reduce_max3A_391 [1] : vector<32x2048xf32> to vector<32xf32>
    %broadcast_in_dim3A_393 = vector.shape_cast %reduce_max3A_392 : vector<32xf32> to vector<32x1xf32>
    %max3A_394 = arith.maximumf %max3A_370, %broadcast_in_dim3A_393 : vector<32x1xf32>
    %sub3A_395 = vector.broadcast %max3A_394 : vector<32x1xf32> to vector<32x2048xf32>
    %sub3A_396 = arith.subf %dot_general3A_390, %sub3A_395 : vector<32x2048xf32>
    %convert_element_type3A_397 = arith.truncf %sub3A_396 : vector<32x2048xf32> to vector<32x2048xbf16>
    %exp3A_398 = math.exp %convert_element_type3A_397 : vector<32x2048xbf16>
    %convert_element_type3A_399 = arith.extf %exp3A_398 : vector<32x2048xbf16> to vector<32x2048xf32>
    %sub3A_400 = arith.subf %max3A_370, %max3A_394 : vector<32x1xf32>
    %exp3A_401 = math.exp %sub3A_400 : vector<32x1xf32>
    %mul3A_402 = arith.mulf %add3A_382, %exp3A_401 : vector<32x1xf32>
    %reduce_sum3A_403 = arith.constant dense<0.000000e+00> : vector<32xf32>
    %reduce_sum3A_404 = vector.multi_reduction <add>, %convert_element_type3A_399, %reduce_sum3A_403 [1] : vector<32x2048xf32> to vector<32xf32>
    %broadcast_in_dim3A_405 = vector.shape_cast %reduce_sum3A_404 : vector<32xf32> to vector<32x1xf32>
    %add3A_406 = arith.addf %mul3A_402, %broadcast_in_dim3A_405 : vector<32x1xf32>
    %swap3A_407 = arith.constant 0 : index
    %swap3A_408 = arith.constant 32768 : index
    %swap3A_409 = vector.load %arg3[%swap3A_407, %swap3A_408] : memref<32x100352xf32, #tpu.memory_space<vmem>>, vector<32x2048xf32>
    tpu.vector_store %arg3[%swap3A_407, %swap3A_408], %dot_general3A_390 {strides = array<i32>} : memref<32x100352xf32, #tpu.memory_space<vmem>>, vector<32x2048xf32>,
    %get3A_410 = arith.constant 0 : index
    %get3A_411 = arith.constant 34816 : index
    %get3A_412 = vector.load %arg2[%get3A_410, %get3A_411] : memref<80x100352xbf16, #tpu.memory_space<vmem>>, vector<80x2048xbf16>
    %dot_general3A_413 = arith.constant dense<0.000000e+00> : vector<32x2048xf32>
    %dot_general3A_414 = tpu.matmul %convert_element_type3A, %get3A_412, %dot_general3A_413 {dimension_numbers = #tpu.dot_dimension_numbers<[1], [0], [0], [1], [0, 0, 1, 1], [], []>, transpose_lhs_hint = false} : vector<32x80xbf16>, vector<80x2048xbf16>, vector<32x2048xf32> -> vector<32x2048xf32>
    %reduce_max3A_415 = arith.constant dense<0xFF800000> : vector<32xf32>
    %reduce_max3A_416 = vector.multi_reduction <maximumf>, %dot_general3A_414, %reduce_max3A_415 [1] : vector<32x2048xf32> to vector<32xf32>
    %broadcast_in_dim3A_417 = vector.shape_cast %reduce_max3A_416 : vector<32xf32> to vector<32x1xf32>
    %max3A_418 = arith.maximumf %max3A_394, %broadcast_in_dim3A_417 : vector<32x1xf32>
    %sub3A_419 = vector.broadcast %max3A_418 : vector<32x1xf32> to vector<32x2048xf32>
    %sub3A_420 = arith.subf %dot_general3A_414, %sub3A_419 : vector<32x2048xf32>
    %convert_element_type3A_421 = arith.truncf %sub3A_420 : vector<32x2048xf32> to vector<32x2048xbf16>
    %exp3A_422 = math.exp %convert_element_type3A_421 : vector<32x2048xbf16>
    %convert_element_type3A_423 = arith.extf %exp3A_422 : vector<32x2048xbf16> to vector<32x2048xf32>
    %sub3A_424 = arith.subf %max3A_394, %max3A_418 : vector<32x1xf32>
    %exp3A_425 = math.exp %sub3A_424 : vector<32x1xf32>
    %mul3A_426 = arith.mulf %add3A_406, %exp3A_425 : vector<32x1xf32>
    %reduce_sum3A_427 = arith.constant dense<0.000000e+00> : vector<32xf32>
    %reduce_sum3A_428 = vector.multi_reduction <add>, %convert_element_type3A_423, %reduce_sum3A_427 [1] : vector<32x2048xf32> to vector<32xf32>
    %broadcast_in_dim3A_429 = vector.shape_cast %reduce_sum3A_428 : vector<32xf32> to vector<32x1xf32>
    %add3A_430 = arith.addf %mul3A_426, %broadcast_in_dim3A_429 : vector<32x1xf32>
    %swap3A_431 = arith.constant 0 : index
    %swap3A_432 = arith.constant 34816 : index
    %swap3A_433 = vector.load %arg3[%swap3A_431, %swap3A_432] : memref<32x100352xf32, #tpu.memory_space<vmem>>, vector<32x2048xf32>
    tpu.vector_store %arg3[%swap3A_431, %swap3A_432], %dot_general3A_414 {strides = array<i32>} : memref<32x100352xf32, #tpu.memory_space<vmem>>, vector<32x2048xf32>,
    %get3A_434 = arith.constant 0 : index
    %get3A_435 = arith.constant 36864 : index
    %get3A_436 = vector.load %arg2[%get3A_434, %get3A_435] : memref<80x100352xbf16, #tpu.memory_space<vmem>>, vector<80x2048xbf16>
    %dot_general3A_437 = arith.constant dense<0.000000e+00> : vector<32x2048xf32>
    %dot_general3A_438 = tpu.matmul %convert_element_type3A, %get3A_436, %dot_general3A_437 {dimension_numbers = #tpu.dot_dimension_numbers<[1], [0], [0], [1], [0, 0, 1, 1], [], []>, transpose_lhs_hint = false} : vector<32x80xbf16>, vector<80x2048xbf16>, vector<32x2048xf32> -> vector<32x2048xf32>
    %reduce_max3A_439 = arith.constant dense<0xFF800000> : vector<32xf32>
    %reduce_max3A_440 = vector.multi_reduction <maximumf>, %dot_general3A_438, %reduce_max3A_439 [1] : vector<32x2048xf32> to vector<32xf32>
    %broadcast_in_dim3A_441 = vector.shape_cast %reduce_max3A_440 : vector<32xf32> to vector<32x1xf32>
    %max3A_442 = arith.maximumf %max3A_418, %broadcast_in_dim3A_441 : vector<32x1xf32>
    %sub3A_443 = vector.broadcast %max3A_442 : vector<32x1xf32> to vector<32x2048xf32>
    %sub3A_444 = arith.subf %dot_general3A_438, %sub3A_443 : vector<32x2048xf32>
    %convert_element_type3A_445 = arith.truncf %sub3A_444 : vector<32x2048xf32> to vector<32x2048xbf16>
    %exp3A_446 = math.exp %convert_element_type3A_445 : vector<32x2048xbf16>
    %convert_element_type3A_447 = arith.extf %exp3A_446 : vector<32x2048xbf16> to vector<32x2048xf32>
    %sub3A_448 = arith.subf %max3A_418, %max3A_442 : vector<32x1xf32>
    %exp3A_449 = math.exp %sub3A_448 : vector<32x1xf32>
    %mul3A_450 = arith.mulf %add3A_430, %exp3A_449 : vector<32x1xf32>
    %reduce_sum3A_451 = arith.constant dense<0.000000e+00> : vector<32xf32>
    %reduce_sum3A_452 = vector.multi_reduction <add>, %convert_element_type3A_447, %reduce_sum3A_451 [1] : vector<32x2048xf32> to vector<32xf32>
    %broadcast_in_dim3A_453 = vector.shape_cast %reduce_sum3A_452 : vector<32xf32> to vector<32x1xf32>
    %add3A_454 = arith.addf %mul3A_450, %broadcast_in_dim3A_453 : vector<32x1xf32>
    %swap3A_455 = arith.constant 0 : index
    %swap3A_456 = arith.constant 36864 : index
    %swap3A_457 = vector.load %arg3[%swap3A_455, %swap3A_456] : memref<32x100352xf32, #tpu.memory_space<vmem>>, vector<32x2048xf32>
    tpu.vector_store %arg3[%swap3A_455, %swap3A_456], %dot_general3A_438 {strides = array<i32>} : memref<32x100352xf32, #tpu.memory_space<vmem>>, vector<32x2048xf32>,
    %get3A_458 = arith.constant 0 : index
    %get3A_459 = arith.constant 38912 : index
    %get3A_460 = vector.load %arg2[%get3A_458, %get3A_459] : memref<80x100352xbf16, #tpu.memory_space<vmem>>, vector<80x2048xbf16>
    %dot_general3A_461 = arith.constant dense<0.000000e+00> : vector<32x2048xf32>
    %dot_general3A_462 = tpu.matmul %convert_element_type3A, %get3A_460, %dot_general3A_461 {dimension_numbers = #tpu.dot_dimension_numbers<[1], [0], [0], [1], [0, 0, 1, 1], [], []>, transpose_lhs_hint = false} : vector<32x80xbf16>, vector<80x2048xbf16>, vector<32x2048xf32> -> vector<32x2048xf32>
    %reduce_max3A_463 = arith.constant dense<0xFF800000> : vector<32xf32>
    %reduce_max3A_464 = vector.multi_reduction <maximumf>, %dot_general3A_462, %reduce_max3A_463 [1] : vector<32x2048xf32> to vector<32xf32>
    %broadcast_in_dim3A_465 = vector.shape_cast %reduce_max3A_464 : vector<32xf32> to vector<32x1xf32>
    %max3A_466 = arith.maximumf %max3A_442, %broadcast_in_dim3A_465 : vector<32x1xf32>
    %sub3A_467 = vector.broadcast %max3A_466 : vector<32x1xf32> to vector<32x2048xf32>
    %sub3A_468 = arith.subf %dot_general3A_462, %sub3A_467 : vector<32x2048xf32>
    %convert_element_type3A_469 = arith.truncf %sub3A_468 : vector<32x2048xf32> to vector<32x2048xbf16>
    %exp3A_470 = math.exp %convert_element_type3A_469 : vector<32x2048xbf16>
    %convert_element_type3A_471 = arith.extf %exp3A_470 : vector<32x2048xbf16> to vector<32x2048xf32>
    %sub3A_472 = arith.subf %max3A_442, %max3A_466 : vector<32x1xf32>
    %exp3A_473 = math.exp %sub3A_472 : vector<32x1xf32>
    %mul3A_474 = arith.mulf %add3A_454, %exp3A_473 : vector<32x1xf32>
    %reduce_sum3A_475 = arith.constant dense<0.000000e+00> : vector<32xf32>
    %reduce_sum3A_476 = vector.multi_reduction <add>, %convert_element_type3A_471, %reduce_sum3A_475 [1] : vector<32x2048xf32> to vector<32xf32>
    %broadcast_in_dim3A_477 = vector.shape_cast %reduce_sum3A_476 : vector<32xf32> to vector<32x1xf32>
    %add3A_478 = arith.addf %mul3A_474, %broadcast_in_dim3A_477 : vector<32x1xf32>
    %swap3A_479 = arith.constant 0 : index
    %swap3A_480 = arith.constant 38912 : index
    %swap3A_481 = vector.load %arg3[%swap3A_479, %swap3A_480] : memref<32x100352xf32, #tpu.memory_space<vmem>>, vector<32x2048xf32>
    tpu.vector_store %arg3[%swap3A_479, %swap3A_480], %dot_general3A_462 {strides = array<i32>} : memref<32x100352xf32, #tpu.memory_space<vmem>>, vector<32x2048xf32>,
    %get3A_482 = arith.constant 0 : index
    %get3A_483 = arith.constant 40960 : index
    %get3A_484 = vector.load %arg2[%get3A_482, %get3A_483] : memref<80x100352xbf16, #tpu.memory_space<vmem>>, vector<80x2048xbf16>
    %dot_general3A_485 = arith.constant dense<0.000000e+00> : vector<32x2048xf32>
    %dot_general3A_486 = tpu.matmul %convert_element_type3A, %get3A_484, %dot_general3A_485 {dimension_numbers = #tpu.dot_dimension_numbers<[1], [0], [0], [1], [0, 0, 1, 1], [], []>, transpose_lhs_hint = false} : vector<32x80xbf16>, vector<80x2048xbf16>, vector<32x2048xf32> -> vector<32x2048xf32>
    %reduce_max3A_487 = arith.constant dense<0xFF800000> : vector<32xf32>
    %reduce_max3A_488 = vector.multi_reduction <maximumf>, %dot_general3A_486, %reduce_max3A_487 [1] : vector<32x2048xf32> to vector<32xf32>
    %broadcast_in_dim3A_489 = vector.shape_cast %reduce_max3A_488 : vector<32xf32> to vector<32x1xf32>
    %max3A_490 = arith.maximumf %max3A_466, %broadcast_in_dim3A_489 : vector<32x1xf32>
    %sub3A_491 = vector.broadcast %max3A_490 : vector<32x1xf32> to vector<32x2048xf32>
    %sub3A_492 = arith.subf %dot_general3A_486, %sub3A_491 : vector<32x2048xf32>
    %convert_element_type3A_493 = arith.truncf %sub3A_492 : vector<32x2048xf32> to vector<32x2048xbf16>
    %exp3A_494 = math.exp %convert_element_type3A_493 : vector<32x2048xbf16>
    %convert_element_type3A_495 = arith.extf %exp3A_494 : vector<32x2048xbf16> to vector<32x2048xf32>
    %sub3A_496 = arith.subf %max3A_466, %max3A_490 : vector<32x1xf32>
    %exp3A_497 = math.exp %sub3A_496 : vector<32x1xf32>
    %mul3A_498 = arith.mulf %add3A_478, %exp3A_497 : vector<32x1xf32>
    %reduce_sum3A_499 = arith.constant dense<0.000000e+00> : vector<32xf32>
    %reduce_sum3A_500 = vector.multi_reduction <add>, %convert_element_type3A_495, %reduce_sum3A_499 [1] : vector<32x2048xf32> to vector<32xf32>
    %broadcast_in_dim3A_501 = vector.shape_cast %reduce_sum3A_500 : vector<32xf32> to vector<32x1xf32>
    %add3A_502 = arith.addf %mul3A_498, %broadcast_in_dim3A_501 : vector<32x1xf32>
    %swap3A_503 = arith.constant 0 : index
    %swap3A_504 = arith.constant 40960 : index
    %swap3A_505 = vector.load %arg3[%swap3A_503, %swap3A_504] : memref<32x100352xf32, #tpu.memory_space<vmem>>, vector<32x2048xf32>
    tpu.vector_store %arg3[%swap3A_503, %swap3A_504], %dot_general3A_486 {strides = array<i32>} : memref<32x100352xf32, #tpu.memory_space<vmem>>, vector<32x2048xf32>,
    %get3A_506 = arith.constant 0 : index
    %get3A_507 = arith.constant 43008 : index
    %get3A_508 = vector.load %arg2[%get3A_506, %get3A_507] : memref<80x100352xbf16, #tpu.memory_space<vmem>>, vector<80x2048xbf16>
    %dot_general3A_509 = arith.constant dense<0.000000e+00> : vector<32x2048xf32>
    %dot_general3A_510 = tpu.matmul %convert_element_type3A, %get3A_508, %dot_general3A_509 {dimension_numbers = #tpu.dot_dimension_numbers<[1], [0], [0], [1], [0, 0, 1, 1], [], []>, transpose_lhs_hint = false} : vector<32x80xbf16>, vector<80x2048xbf16>, vector<32x2048xf32> -> vector<32x2048xf32>
    %reduce_max3A_511 = arith.constant dense<0xFF800000> : vector<32xf32>
    %reduce_max3A_512 = vector.multi_reduction <maximumf>, %dot_general3A_510, %reduce_max3A_511 [1] : vector<32x2048xf32> to vector<32xf32>
    %broadcast_in_dim3A_513 = vector.shape_cast %reduce_max3A_512 : vector<32xf32> to vector<32x1xf32>
    %max3A_514 = arith.maximumf %max3A_490, %broadcast_in_dim3A_513 : vector<32x1xf32>
    %sub3A_515 = vector.broadcast %max3A_514 : vector<32x1xf32> to vector<32x2048xf32>
    %sub3A_516 = arith.subf %dot_general3A_510, %sub3A_515 : vector<32x2048xf32>
    %convert_element_type3A_517 = arith.truncf %sub3A_516 : vector<32x2048xf32> to vector<32x2048xbf16>
    %exp3A_518 = math.exp %convert_element_type3A_517 : vector<32x2048xbf16>
    %convert_element_type3A_519 = arith.extf %exp3A_518 : vector<32x2048xbf16> to vector<32x2048xf32>
    %sub3A_520 = arith.subf %max3A_490, %max3A_514 : vector<32x1xf32>
    %exp3A_521 = math.exp %sub3A_520 : vector<32x1xf32>
    %mul3A_522 = arith.mulf %add3A_502, %exp3A_521 : vector<32x1xf32>
    %reduce_sum3A_523 = arith.constant dense<0.000000e+00> : vector<32xf32>
    %reduce_sum3A_524 = vector.multi_reduction <add>, %convert_element_type3A_519, %reduce_sum3A_523 [1] : vector<32x2048xf32> to vector<32xf32>
    %broadcast_in_dim3A_525 = vector.shape_cast %reduce_sum3A_524 : vector<32xf32> to vector<32x1xf32>
    %add3A_526 = arith.addf %mul3A_522, %broadcast_in_dim3A_525 : vector<32x1xf32>
    %swap3A_527 = arith.constant 0 : index
    %swap3A_528 = arith.constant 43008 : index
    %swap3A_529 = vector.load %arg3[%swap3A_527, %swap3A_528] : memref<32x100352xf32, #tpu.memory_space<vmem>>, vector<32x2048xf32>
    tpu.vector_store %arg3[%swap3A_527, %swap3A_528], %dot_general3A_510 {strides = array<i32>} : memref<32x100352xf32, #tpu.memory_space<vmem>>, vector<32x2048xf32>,
    %get3A_530 = arith.constant 0 : index
    %get3A_531 = arith.constant 45056 : index
    %get3A_532 = vector.load %arg2[%get3A_530, %get3A_531] : memref<80x100352xbf16, #tpu.memory_space<vmem>>, vector<80x2048xbf16>
    %dot_general3A_533 = arith.constant dense<0.000000e+00> : vector<32x2048xf32>
    %dot_general3A_534 = tpu.matmul %convert_element_type3A, %get3A_532, %dot_general3A_533 {dimension_numbers = #tpu.dot_dimension_numbers<[1], [0], [0], [1], [0, 0, 1, 1], [], []>, transpose_lhs_hint = false} : vector<32x80xbf16>, vector<80x2048xbf16>, vector<32x2048xf32> -> vector<32x2048xf32>
    %reduce_max3A_535 = arith.constant dense<0xFF800000> : vector<32xf32>
    %reduce_max3A_536 = vector.multi_reduction <maximumf>, %dot_general3A_534, %reduce_max3A_535 [1] : vector<32x2048xf32> to vector<32xf32>
    %broadcast_in_dim3A_537 = vector.shape_cast %reduce_max3A_536 : vector<32xf32> to vector<32x1xf32>
    %max3A_538 = arith.maximumf %max3A_514, %broadcast_in_dim3A_537 : vector<32x1xf32>
    %sub3A_539 = vector.broadcast %max3A_538 : vector<32x1xf32> to vector<32x2048xf32>
    %sub3A_540 = arith.subf %dot_general3A_534, %sub3A_539 : vector<32x2048xf32>
    %convert_element_type3A_541 = arith.truncf %sub3A_540 : vector<32x2048xf32> to vector<32x2048xbf16>
    %exp3A_542 = math.exp %convert_element_type3A_541 : vector<32x2048xbf16>
    %convert_element_type3A_543 = arith.extf %exp3A_542 : vector<32x2048xbf16> to vector<32x2048xf32>
    %sub3A_544 = arith.subf %max3A_514, %max3A_538 : vector<32x1xf32>
    %exp3A_545 = math.exp %sub3A_544 : vector<32x1xf32>
    %mul3A_546 = arith.mulf %add3A_526, %exp3A_545 : vector<32x1xf32>
    %reduce_sum3A_547 = arith.constant dense<0.000000e+00> : vector<32xf32>
    %reduce_sum3A_548 = vector.multi_reduction <add>, %convert_element_type3A_543, %reduce_sum3A_547 [1] : vector<32x2048xf32> to vector<32xf32>
    %broadcast_in_dim3A_549 = vector.shape_cast %reduce_sum3A_548 : vector<32xf32> to vector<32x1xf32>
    %add3A_550 = arith.addf %mul3A_546, %broadcast_in_dim3A_549 : vector<32x1xf32>
    %swap3A_551 = arith.constant 0 : index
    %swap3A_552 = arith.constant 45056 : index
    %swap3A_553 = vector.load %arg3[%swap3A_551, %swap3A_552] : memref<32x100352xf32, #tpu.memory_space<vmem>>, vector<32x2048xf32>
    tpu.vector_store %arg3[%swap3A_551, %swap3A_552], %dot_general3A_534 {strides = array<i32>} : memref<32x100352xf32, #tpu.memory_space<vmem>>, vector<32x2048xf32>,
    %get3A_554 = arith.constant 0 : index
    %get3A_555 = arith.constant 47104 : index
    %get3A_556 = vector.load %arg2[%get3A_554, %get3A_555] : memref<80x100352xbf16, #tpu.memory_space<vmem>>, vector<80x2048xbf16>
    %dot_general3A_557 = arith.constant dense<0.000000e+00> : vector<32x2048xf32>
    %dot_general3A_558 = tpu.matmul %convert_element_type3A, %get3A_556, %dot_general3A_557 {dimension_numbers = #tpu.dot_dimension_numbers<[1], [0], [0], [1], [0, 0, 1, 1], [], []>, transpose_lhs_hint = false} : vector<32x80xbf16>, vector<80x2048xbf16>, vector<32x2048xf32> -> vector<32x2048xf32>
    %reduce_max3A_559 = arith.constant dense<0xFF800000> : vector<32xf32>
    %reduce_max3A_560 = vector.multi_reduction <maximumf>, %dot_general3A_558, %reduce_max3A_559 [1] : vector<32x2048xf32> to vector<32xf32>
    %broadcast_in_dim3A_561 = vector.shape_cast %reduce_max3A_560 : vector<32xf32> to vector<32x1xf32>
    %max3A_562 = arith.maximumf %max3A_538, %broadcast_in_dim3A_561 : vector<32x1xf32>
    %sub3A_563 = vector.broadcast %max3A_562 : vector<32x1xf32> to vector<32x2048xf32>
    %sub3A_564 = arith.subf %dot_general3A_558, %sub3A_563 : vector<32x2048xf32>
    %convert_element_type3A_565 = arith.truncf %sub3A_564 : vector<32x2048xf32> to vector<32x2048xbf16>
    %exp3A_566 = math.exp %convert_element_type3A_565 : vector<32x2048xbf16>
    %convert_element_type3A_567 = arith.extf %exp3A_566 : vector<32x2048xbf16> to vector<32x2048xf32>
    %sub3A_568 = arith.subf %max3A_538, %max3A_562 : vector<32x1xf32>
    %exp3A_569 = math.exp %sub3A_568 : vector<32x1xf32>
    %mul3A_570 = arith.mulf %add3A_550, %exp3A_569 : vector<32x1xf32>
    %reduce_sum3A_571 = arith.constant dense<0.000000e+00> : vector<32xf32>
    %reduce_sum3A_572 = vector.multi_reduction <add>, %convert_element_type3A_567, %reduce_sum3A_571 [1] : vector<32x2048xf32> to vector<32xf32>
    %broadcast_in_dim3A_573 = vector.shape_cast %reduce_sum3A_572 : vector<32xf32> to vector<32x1xf32>
    %add3A_574 = arith.addf %mul3A_570, %broadcast_in_dim3A_573 : vector<32x1xf32>
    %swap3A_575 = arith.constant 0 : index
    %swap3A_576 = arith.constant 47104 : index
    %swap3A_577 = vector.load %arg3[%swap3A_575, %swap3A_576] : memref<32x100352xf32, #tpu.memory_space<vmem>>, vector<32x2048xf32>
    tpu.vector_store %arg3[%swap3A_575, %swap3A_576], %dot_general3A_558 {strides = array<i32>} : memref<32x100352xf32, #tpu.memory_space<vmem>>, vector<32x2048xf32>,
    %get3A_578 = arith.constant 0 : index
    %get3A_579 = arith.constant 49152 : index
    %get3A_580 = vector.load %arg2[%get3A_578, %get3A_579] : memref<80x100352xbf16, #tpu.memory_space<vmem>>, vector<80x2048xbf16>
    %dot_general3A_581 = arith.constant dense<0.000000e+00> : vector<32x2048xf32>
    %dot_general3A_582 = tpu.matmul %convert_element_type3A, %get3A_580, %dot_general3A_581 {dimension_numbers = #tpu.dot_dimension_numbers<[1], [0], [0], [1], [0, 0, 1, 1], [], []>, transpose_lhs_hint = false} : vector<32x80xbf16>, vector<80x2048xbf16>, vector<32x2048xf32> -> vector<32x2048xf32>
    %reduce_max3A_583 = arith.constant dense<0xFF800000> : vector<32xf32>
    %reduce_max3A_584 = vector.multi_reduction <maximumf>, %dot_general3A_582, %reduce_max3A_583 [1] : vector<32x2048xf32> to vector<32xf32>
    %broadcast_in_dim3A_585 = vector.shape_cast %reduce_max3A_584 : vector<32xf32> to vector<32x1xf32>
    %max3A_586 = arith.maximumf %max3A_562, %broadcast_in_dim3A_585 : vector<32x1xf32>
    %sub3A_587 = vector.broadcast %max3A_586 : vector<32x1xf32> to vector<32x2048xf32>
    %sub3A_588 = arith.subf %dot_general3A_582, %sub3A_587 : vector<32x2048xf32>
    %convert_element_type3A_589 = arith.truncf %sub3A_588 : vector<32x2048xf32> to vector<32x2048xbf16>
    %exp3A_590 = math.exp %convert_element_type3A_589 : vector<32x2048xbf16>
    %convert_element_type3A_591 = arith.extf %exp3A_590 : vector<32x2048xbf16> to vector<32x2048xf32>
    %sub3A_592 = arith.subf %max3A_562, %max3A_586 : vector<32x1xf32>
    %exp3A_593 = math.exp %sub3A_592 : vector<32x1xf32>
    %mul3A_594 = arith.mulf %add3A_574, %exp3A_593 : vector<32x1xf32>
    %reduce_sum3A_595 = arith.constant dense<0.000000e+00> : vector<32xf32>
    %reduce_sum3A_596 = vector.multi_reduction <add>, %convert_element_type3A_591, %reduce_sum3A_595 [1] : vector<32x2048xf32> to vector<32xf32>
    %broadcast_in_dim3A_597 = vector.shape_cast %reduce_sum3A_596 : vector<32xf32> to vector<32x1xf32>
    %add3A_598 = arith.addf %mul3A_594, %broadcast_in_dim3A_597 : vector<32x1xf32>
    %swap3A_599 = arith.constant 0 : index
    %swap3A_600 = arith.constant 49152 : index
    %swap3A_601 = vector.load %arg3[%swap3A_599, %swap3A_600] : memref<32x100352xf32, #tpu.memory_space<vmem>>, vector<32x2048xf32>
    tpu.vector_store %arg3[%swap3A_599, %swap3A_600], %dot_general3A_582 {strides = array<i32>} : memref<32x100352xf32, #tpu.memory_space<vmem>>, vector<32x2048xf32>,
    %get3A_602 = arith.constant 0 : index
    %get3A_603 = arith.constant 51200 : index
    %get3A_604 = vector.load %arg2[%get3A_602, %get3A_603] : memref<80x100352xbf16, #tpu.memory_space<vmem>>, vector<80x2048xbf16>
    %dot_general3A_605 = arith.constant dense<0.000000e+00> : vector<32x2048xf32>
    %dot_general3A_606 = tpu.matmul %convert_element_type3A, %get3A_604, %dot_general3A_605 {dimension_numbers = #tpu.dot_dimension_numbers<[1], [0], [0], [1], [0, 0, 1, 1], [], []>, transpose_lhs_hint = false} : vector<32x80xbf16>, vector<80x2048xbf16>, vector<32x2048xf32> -> vector<32x2048xf32>
    %reduce_max3A_607 = arith.constant dense<0xFF800000> : vector<32xf32>
    %reduce_max3A_608 = vector.multi_reduction <maximumf>, %dot_general3A_606, %reduce_max3A_607 [1] : vector<32x2048xf32> to vector<32xf32>
    %broadcast_in_dim3A_609 = vector.shape_cast %reduce_max3A_608 : vector<32xf32> to vector<32x1xf32>
    %max3A_610 = arith.maximumf %max3A_586, %broadcast_in_dim3A_609 : vector<32x1xf32>
    %sub3A_611 = vector.broadcast %max3A_610 : vector<32x1xf32> to vector<32x2048xf32>
    %sub3A_612 = arith.subf %dot_general3A_606, %sub3A_611 : vector<32x2048xf32>
    %convert_element_type3A_613 = arith.truncf %sub3A_612 : vector<32x2048xf32> to vector<32x2048xbf16>
    %exp3A_614 = math.exp %convert_element_type3A_613 : vector<32x2048xbf16>
    %convert_element_type3A_615 = arith.extf %exp3A_614 : vector<32x2048xbf16> to vector<32x2048xf32>
    %sub3A_616 = arith.subf %max3A_586, %max3A_610 : vector<32x1xf32>
    %exp3A_617 = math.exp %sub3A_616 : vector<32x1xf32>
    %mul3A_618 = arith.mulf %add3A_598, %exp3A_617 : vector<32x1xf32>
    %reduce_sum3A_619 = arith.constant dense<0.000000e+00> : vector<32xf32>
    %reduce_sum3A_620 = vector.multi_reduction <add>, %convert_element_type3A_615, %reduce_sum3A_619 [1] : vector<32x2048xf32> to vector<32xf32>
    %broadcast_in_dim3A_621 = vector.shape_cast %reduce_sum3A_620 : vector<32xf32> to vector<32x1xf32>
    %add3A_622 = arith.addf %mul3A_618, %broadcast_in_dim3A_621 : vector<32x1xf32>
    %swap3A_623 = arith.constant 0 : index
    %swap3A_624 = arith.constant 51200 : index
    %swap3A_625 = vector.load %arg3[%swap3A_623, %swap3A_624] : memref<32x100352xf32, #tpu.memory_space<vmem>>, vector<32x2048xf32>
    tpu.vector_store %arg3[%swap3A_623, %swap3A_624], %dot_general3A_606 {strides = array<i32>} : memref<32x100352xf32, #tpu.memory_space<vmem>>, vector<32x2048xf32>,
    %get3A_626 = arith.constant 0 : index
    %get3A_627 = arith.constant 53248 : index
    %get3A_628 = vector.load %arg2[%get3A_626, %get3A_627] : memref<80x100352xbf16, #tpu.memory_space<vmem>>, vector<80x2048xbf16>
    %dot_general3A_629 = arith.constant dense<0.000000e+00> : vector<32x2048xf32>
    %dot_general3A_630 = tpu.matmul %convert_element_type3A, %get3A_628, %dot_general3A_629 {dimension_numbers = #tpu.dot_dimension_numbers<[1], [0], [0], [1], [0, 0, 1, 1], [], []>, transpose_lhs_hint = false} : vector<32x80xbf16>, vector<80x2048xbf16>, vector<32x2048xf32> -> vector<32x2048xf32>
    %reduce_max3A_631 = arith.constant dense<0xFF800000> : vector<32xf32>
    %reduce_max3A_632 = vector.multi_reduction <maximumf>, %dot_general3A_630, %reduce_max3A_631 [1] : vector<32x2048xf32> to vector<32xf32>
    %broadcast_in_dim3A_633 = vector.shape_cast %reduce_max3A_632 : vector<32xf32> to vector<32x1xf32>
    %max3A_634 = arith.maximumf %max3A_610, %broadcast_in_dim3A_633 : vector<32x1xf32>
    %sub3A_635 = vector.broadcast %max3A_634 : vector<32x1xf32> to vector<32x2048xf32>
    %sub3A_636 = arith.subf %dot_general3A_630, %sub3A_635 : vector<32x2048xf32>
    %convert_element_type3A_637 = arith.truncf %sub3A_636 : vector<32x2048xf32> to vector<32x2048xbf16>
    %exp3A_638 = math.exp %convert_element_type3A_637 : vector<32x2048xbf16>
    %convert_element_type3A_639 = arith.extf %exp3A_638 : vector<32x2048xbf16> to vector<32x2048xf32>
    %sub3A_640 = arith.subf %max3A_610, %max3A_634 : vector<32x1xf32>
    %exp3A_641 = math.exp %sub3A_640 : vector<32x1xf32>
    %mul3A_642 = arith.mulf %add3A_622, %exp3A_641 : vector<32x1xf32>
    %reduce_sum3A_643 = arith.constant dense<0.000000e+00> : vector<32xf32>
    %reduce_sum3A_644 = vector.multi_reduction <add>, %convert_element_type3A_639, %reduce_sum3A_643 [1] : vector<32x2048xf32> to vector<32xf32>
    %broadcast_in_dim3A_645 = vector.shape_cast %reduce_sum3A_644 : vector<32xf32> to vector<32x1xf32>
    %add3A_646 = arith.addf %mul3A_642, %broadcast_in_dim3A_645 : vector<32x1xf32>
    %swap3A_647 = arith.constant 0 : index
    %swap3A_648 = arith.constant 53248 : index
    %swap3A_649 = vector.load %arg3[%swap3A_647, %swap3A_648] : memref<32x100352xf32, #tpu.memory_space<vmem>>, vector<32x2048xf32>
    tpu.vector_store %arg3[%swap3A_647, %swap3A_648], %dot_general3A_630 {strides = array<i32>} : memref<32x100352xf32, #tpu.memory_space<vmem>>, vector<32x2048xf32>,
    %get3A_650 = arith.constant 0 : index
    %get3A_651 = arith.constant 55296 : index
    %get3A_652 = vector.load %arg2[%get3A_650, %get3A_651] : memref<80x100352xbf16, #tpu.memory_space<vmem>>, vector<80x2048xbf16>
    %dot_general3A_653 = arith.constant dense<0.000000e+00> : vector<32x2048xf32>
    %dot_general3A_654 = tpu.matmul %convert_element_type3A, %get3A_652, %dot_general3A_653 {dimension_numbers = #tpu.dot_dimension_numbers<[1], [0], [0], [1], [0, 0, 1, 1], [], []>, transpose_lhs_hint = false} : vector<32x80xbf16>, vector<80x2048xbf16>, vector<32x2048xf32> -> vector<32x2048xf32>
    %reduce_max3A_655 = arith.constant dense<0xFF800000> : vector<32xf32>
    %reduce_max3A_656 = vector.multi_reduction <maximumf>, %dot_general3A_654, %reduce_max3A_655 [1] : vector<32x2048xf32> to vector<32xf32>
    %broadcast_in_dim3A_657 = vector.shape_cast %reduce_max3A_656 : vector<32xf32> to vector<32x1xf32>
    %max3A_658 = arith.maximumf %max3A_634, %broadcast_in_dim3A_657 : vector<32x1xf32>
    %sub3A_659 = vector.broadcast %max3A_658 : vector<32x1xf32> to vector<32x2048xf32>
    %sub3A_660 = arith.subf %dot_general3A_654, %sub3A_659 : vector<32x2048xf32>
    %convert_element_type3A_661 = arith.truncf %sub3A_660 : vector<32x2048xf32> to vector<32x2048xbf16>
    %exp3A_662 = math.exp %convert_element_type3A_661 : vector<32x2048xbf16>
    %convert_element_type3A_663 = arith.extf %exp3A_662 : vector<32x2048xbf16> to vector<32x2048xf32>
    %sub3A_664 = arith.subf %max3A_634, %max3A_658 : vector<32x1xf32>
    %exp3A_665 = math.exp %sub3A_664 : vector<32x1xf32>
    %mul3A_666 = arith.mulf %add3A_646, %exp3A_665 : vector<32x1xf32>
    %reduce_sum3A_667 = arith.constant dense<0.000000e+00> : vector<32xf32>
    %reduce_sum3A_668 = vector.multi_reduction <add>, %convert_element_type3A_663, %reduce_sum3A_667 [1] : vector<32x2048xf32> to vector<32xf32>
    %broadcast_in_dim3A_669 = vector.shape_cast %reduce_sum3A_668 : vector<32xf32> to vector<32x1xf32>
    %add3A_670 = arith.addf %mul3A_666, %broadcast_in_dim3A_669 : vector<32x1xf32>
    %swap3A_671 = arith.constant 0 : index
    %swap3A_672 = arith.constant 55296 : index
    %swap3A_673 = vector.load %arg3[%swap3A_671, %swap3A_672] : memref<32x100352xf32, #tpu.memory_space<vmem>>, vector<32x2048xf32>
    tpu.vector_store %arg3[%swap3A_671, %swap3A_672], %dot_general3A_654 {strides = array<i32>} : memref<32x100352xf32, #tpu.memory_space<vmem>>, vector<32x2048xf32>,
    %get3A_674 = arith.constant 0 : index
    %get3A_675 = arith.constant 57344 : index
    %get3A_676 = vector.load %arg2[%get3A_674, %get3A_675] : memref<80x100352xbf16, #tpu.memory_space<vmem>>, vector<80x2048xbf16>
    %dot_general3A_677 = arith.constant dense<0.000000e+00> : vector<32x2048xf32>
    %dot_general3A_678 = tpu.matmul %convert_element_type3A, %get3A_676, %dot_general3A_677 {dimension_numbers = #tpu.dot_dimension_numbers<[1], [0], [0], [1], [0, 0, 1, 1], [], []>, transpose_lhs_hint = false} : vector<32x80xbf16>, vector<80x2048xbf16>, vector<32x2048xf32> -> vector<32x2048xf32>
    %reduce_max3A_679 = arith.constant dense<0xFF800000> : vector<32xf32>
    %reduce_max3A_680 = vector.multi_reduction <maximumf>, %dot_general3A_678, %reduce_max3A_679 [1] : vector<32x2048xf32> to vector<32xf32>
    %broadcast_in_dim3A_681 = vector.shape_cast %reduce_max3A_680 : vector<32xf32> to vector<32x1xf32>
    %max3A_682 = arith.maximumf %max3A_658, %broadcast_in_dim3A_681 : vector<32x1xf32>
    %sub3A_683 = vector.broadcast %max3A_682 : vector<32x1xf32> to vector<32x2048xf32>
    %sub3A_684 = arith.subf %dot_general3A_678, %sub3A_683 : vector<32x2048xf32>
    %convert_element_type3A_685 = arith.truncf %sub3A_684 : vector<32x2048xf32> to vector<32x2048xbf16>
    %exp3A_686 = math.exp %convert_element_type3A_685 : vector<32x2048xbf16>
    %convert_element_type3A_687 = arith.extf %exp3A_686 : vector<32x2048xbf16> to vector<32x2048xf32>
    %sub3A_688 = arith.subf %max3A_658, %max3A_682 : vector<32x1xf32>
    %exp3A_689 = math.exp %sub3A_688 : vector<32x1xf32>
    %mul3A_690 = arith.mulf %add3A_670, %exp3A_689 : vector<32x1xf32>
    %reduce_sum3A_691 = arith.constant dense<0.000000e+00> : vector<32xf32>
    %reduce_sum3A_692 = vector.multi_reduction <add>, %convert_element_type3A_687, %reduce_sum3A_691 [1] : vector<32x2048xf32> to vector<32xf32>
    %broadcast_in_dim3A_693 = vector.shape_cast %reduce_sum3A_692 : vector<32xf32> to vector<32x1xf32>
    %add3A_694 = arith.addf %mul3A_690, %broadcast_in_dim3A_693 : vector<32x1xf32>
    %swap3A_695 = arith.constant 0 : index
    %swap3A_696 = arith.constant 57344 : index
    %swap3A_697 = vector.load %arg3[%swap3A_695, %swap3A_696] : memref<32x100352xf32, #tpu.memory_space<vmem>>, vector<32x2048xf32>
    tpu.vector_store %arg3[%swap3A_695, %swap3A_696], %dot_general3A_678 {strides = array<i32>} : memref<32x100352xf32, #tpu.memory_space<vmem>>, vector<32x2048xf32>,
    %get3A_698 = arith.constant 0 : index
    %get3A_699 = arith.constant 59392 : index
    %get3A_700 = vector.load %arg2[%get3A_698, %get3A_699] : memref<80x100352xbf16, #tpu.memory_space<vmem>>, vector<80x2048xbf16>
    %dot_general3A_701 = arith.constant dense<0.000000e+00> : vector<32x2048xf32>
    %dot_general3A_702 = tpu.matmul %convert_element_type3A, %get3A_700, %dot_general3A_701 {dimension_numbers = #tpu.dot_dimension_numbers<[1], [0], [0], [1], [0, 0, 1, 1], [], []>, transpose_lhs_hint = false} : vector<32x80xbf16>, vector<80x2048xbf16>, vector<32x2048xf32> -> vector<32x2048xf32>
    %reduce_max3A_703 = arith.constant dense<0xFF800000> : vector<32xf32>
    %reduce_max3A_704 = vector.multi_reduction <maximumf>, %dot_general3A_702, %reduce_max3A_703 [1] : vector<32x2048xf32> to vector<32xf32>
    %broadcast_in_dim3A_705 = vector.shape_cast %reduce_max3A_704 : vector<32xf32> to vector<32x1xf32>
    %max3A_706 = arith.maximumf %max3A_682, %broadcast_in_dim3A_705 : vector<32x1xf32>
    %sub3A_707 = vector.broadcast %max3A_706 : vector<32x1xf32> to vector<32x2048xf32>
    %sub3A_708 = arith.subf %dot_general3A_702, %sub3A_707 : vector<32x2048xf32>
    %convert_element_type3A_709 = arith.truncf %sub3A_708 : vector<32x2048xf32> to vector<32x2048xbf16>
    %exp3A_710 = math.exp %convert_element_type3A_709 : vector<32x2048xbf16>
    %convert_element_type3A_711 = arith.extf %exp3A_710 : vector<32x2048xbf16> to vector<32x2048xf32>
    %sub3A_712 = arith.subf %max3A_682, %max3A_706 : vector<32x1xf32>
    %exp3A_713 = math.exp %sub3A_712 : vector<32x1xf32>
    %mul3A_714 = arith.mulf %add3A_694, %exp3A_713 : vector<32x1xf32>
    %reduce_sum3A_715 = arith.constant dense<0.000000e+00> : vector<32xf32>
    %reduce_sum3A_716 = vector.multi_reduction <add>, %convert_element_type3A_711, %reduce_sum3A_715 [1] : vector<32x2048xf32> to vector<32xf32>
    %broadcast_in_dim3A_717 = vector.shape_cast %reduce_sum3A_716 : vector<32xf32> to vector<32x1xf32>
    %add3A_718 = arith.addf %mul3A_714, %broadcast_in_dim3A_717 : vector<32x1xf32>
    %swap3A_719 = arith.constant 0 : index
    %swap3A_720 = arith.constant 59392 : index
    %swap3A_721 = vector.load %arg3[%swap3A_719, %swap3A_720] : memref<32x100352xf32, #tpu.memory_space<vmem>>, vector<32x2048xf32>
    tpu.vector_store %arg3[%swap3A_719, %swap3A_720], %dot_general3A_702 {strides = array<i32>} : memref<32x100352xf32, #tpu.memory_space<vmem>>, vector<32x2048xf32>,
    %get3A_722 = arith.constant 0 : index
    %get3A_723 = arith.constant 61440 : index
    %get3A_724 = vector.load %arg2[%get3A_722, %get3A_723] : memref<80x100352xbf16, #tpu.memory_space<vmem>>, vector<80x2048xbf16>
    %dot_general3A_725 = arith.constant dense<0.000000e+00> : vector<32x2048xf32>
    %dot_general3A_726 = tpu.matmul %convert_element_type3A, %get3A_724, %dot_general3A_725 {dimension_numbers = #tpu.dot_dimension_numbers<[1], [0], [0], [1], [0, 0, 1, 1], [], []>, transpose_lhs_hint = false} : vector<32x80xbf16>, vector<80x2048xbf16>, vector<32x2048xf32> -> vector<32x2048xf32>
    %reduce_max3A_727 = arith.constant dense<0xFF800000> : vector<32xf32>
    %reduce_max3A_728 = vector.multi_reduction <maximumf>, %dot_general3A_726, %reduce_max3A_727 [1] : vector<32x2048xf32> to vector<32xf32>
    %broadcast_in_dim3A_729 = vector.shape_cast %reduce_max3A_728 : vector<32xf32> to vector<32x1xf32>
    %max3A_730 = arith.maximumf %max3A_706, %broadcast_in_dim3A_729 : vector<32x1xf32>
    %sub3A_731 = vector.broadcast %max3A_730 : vector<32x1xf32> to vector<32x2048xf32>
    %sub3A_732 = arith.subf %dot_general3A_726, %sub3A_731 : vector<32x2048xf32>
    %convert_element_type3A_733 = arith.truncf %sub3A_732 : vector<32x2048xf32> to vector<32x2048xbf16>
    %exp3A_734 = math.exp %convert_element_type3A_733 : vector<32x2048xbf16>
    %convert_element_type3A_735 = arith.extf %exp3A_734 : vector<32x2048xbf16> to vector<32x2048xf32>
    %sub3A_736 = arith.subf %max3A_706, %max3A_730 : vector<32x1xf32>
    %exp3A_737 = math.exp %sub3A_736 : vector<32x1xf32>
    %mul3A_738 = arith.mulf %add3A_718, %exp3A_737 : vector<32x1xf32>
    %reduce_sum3A_739 = arith.constant dense<0.000000e+00> : vector<32xf32>
    %reduce_sum3A_740 = vector.multi_reduction <add>, %convert_element_type3A_735, %reduce_sum3A_739 [1] : vector<32x2048xf32> to vector<32xf32>
    %broadcast_in_dim3A_741 = vector.shape_cast %reduce_sum3A_740 : vector<32xf32> to vector<32x1xf32>
    %add3A_742 = arith.addf %mul3A_738, %broadcast_in_dim3A_741 : vector<32x1xf32>
    %swap3A_743 = arith.constant 0 : index
    %swap3A_744 = arith.constant 61440 : index
    %swap3A_745 = vector.load %arg3[%swap3A_743, %swap3A_744] : memref<32x100352xf32, #tpu.memory_space<vmem>>, vector<32x2048xf32>
    tpu.vector_store %arg3[%swap3A_743, %swap3A_744], %dot_general3A_726 {strides = array<i32>} : memref<32x100352xf32, #tpu.memory_space<vmem>>, vector<32x2048xf32>,
    %get3A_746 = arith.constant 0 : index
    %get3A_747 = arith.constant 63488 : index
    %get3A_748 = vector.load %arg2[%get3A_746, %get3A_747] : memref<80x100352xbf16, #tpu.memory_space<vmem>>, vector<80x2048xbf16>
    %dot_general3A_749 = arith.constant dense<0.000000e+00> : vector<32x2048xf32>
    %dot_general3A_750 = tpu.matmul %convert_element_type3A, %get3A_748, %dot_general3A_749 {dimension_numbers = #tpu.dot_dimension_numbers<[1], [0], [0], [1], [0, 0, 1, 1], [], []>, transpose_lhs_hint = false} : vector<32x80xbf16>, vector<80x2048xbf16>, vector<32x2048xf32> -> vector<32x2048xf32>
    %reduce_max3A_751 = arith.constant dense<0xFF800000> : vector<32xf32>
    %reduce_max3A_752 = vector.multi_reduction <maximumf>, %dot_general3A_750, %reduce_max3A_751 [1] : vector<32x2048xf32> to vector<32xf32>
    %broadcast_in_dim3A_753 = vector.shape_cast %reduce_max3A_752 : vector<32xf32> to vector<32x1xf32>
    %max3A_754 = arith.maximumf %max3A_730, %broadcast_in_dim3A_753 : vector<32x1xf32>
    %sub3A_755 = vector.broadcast %max3A_754 : vector<32x1xf32> to vector<32x2048xf32>
    %sub3A_756 = arith.subf %dot_general3A_750, %sub3A_755 : vector<32x2048xf32>
    %convert_element_type3A_757 = arith.truncf %sub3A_756 : vector<32x2048xf32> to vector<32x2048xbf16>
    %exp3A_758 = math.exp %convert_element_type3A_757 : vector<32x2048xbf16>
    %convert_element_type3A_759 = arith.extf %exp3A_758 : vector<32x2048xbf16> to vector<32x2048xf32>
    %sub3A_760 = arith.subf %max3A_730, %max3A_754 : vector<32x1xf32>
    %exp3A_761 = math.exp %sub3A_760 : vector<32x1xf32>
    %mul3A_762 = arith.mulf %add3A_742, %exp3A_761 : vector<32x1xf32>
    %reduce_sum3A_763 = arith.constant dense<0.000000e+00> : vector<32xf32>
    %reduce_sum3A_764 = vector.multi_reduction <add>, %convert_element_type3A_759, %reduce_sum3A_763 [1] : vector<32x2048xf32> to vector<32xf32>
    %broadcast_in_dim3A_765 = vector.shape_cast %reduce_sum3A_764 : vector<32xf32> to vector<32x1xf32>
    %add3A_766 = arith.addf %mul3A_762, %broadcast_in_dim3A_765 : vector<32x1xf32>
    %swap3A_767 = arith.constant 0 : index
    %swap3A_768 = arith.constant 63488 : index
    %swap3A_769 = vector.load %arg3[%swap3A_767, %swap3A_768] : memref<32x100352xf32, #tpu.memory_space<vmem>>, vector<32x2048xf32>
    tpu.vector_store %arg3[%swap3A_767, %swap3A_768], %dot_general3A_750 {strides = array<i32>} : memref<32x100352xf32, #tpu.memory_space<vmem>>, vector<32x2048xf32>,
    %get3A_770 = arith.constant 0 : index
    %get3A_771 = arith.constant 65536 : index
    %get3A_772 = vector.load %arg2[%get3A_770, %get3A_771] : memref<80x100352xbf16, #tpu.memory_space<vmem>>, vector<80x2048xbf16>
    %dot_general3A_773 = arith.constant dense<0.000000e+00> : vector<32x2048xf32>
    %dot_general3A_774 = tpu.matmul %convert_element_type3A, %get3A_772, %dot_general3A_773 {dimension_numbers = #tpu.dot_dimension_numbers<[1], [0], [0], [1], [0, 0, 1, 1], [], []>, transpose_lhs_hint = false} : vector<32x80xbf16>, vector<80x2048xbf16>, vector<32x2048xf32> -> vector<32x2048xf32>
    %reduce_max3A_775 = arith.constant dense<0xFF800000> : vector<32xf32>
    %reduce_max3A_776 = vector.multi_reduction <maximumf>, %dot_general3A_774, %reduce_max3A_775 [1] : vector<32x2048xf32> to vector<32xf32>
    %broadcast_in_dim3A_777 = vector.shape_cast %reduce_max3A_776 : vector<32xf32> to vector<32x1xf32>
    %max3A_778 = arith.maximumf %max3A_754, %broadcast_in_dim3A_777 : vector<32x1xf32>
    %sub3A_779 = vector.broadcast %max3A_778 : vector<32x1xf32> to vector<32x2048xf32>
    %sub3A_780 = arith.subf %dot_general3A_774, %sub3A_779 : vector<32x2048xf32>
    %convert_element_type3A_781 = arith.truncf %sub3A_780 : vector<32x2048xf32> to vector<32x2048xbf16>
    %exp3A_782 = math.exp %convert_element_type3A_781 : vector<32x2048xbf16>
    %convert_element_type3A_783 = arith.extf %exp3A_782 : vector<32x2048xbf16> to vector<32x2048xf32>
    %sub3A_784 = arith.subf %max3A_754, %max3A_778 : vector<32x1xf32>
    %exp3A_785 = math.exp %sub3A_784 : vector<32x1xf32>
    %mul3A_786 = arith.mulf %add3A_766, %exp3A_785 : vector<32x1xf32>
    %reduce_sum3A_787 = arith.constant dense<0.000000e+00> : vector<32xf32>
    %reduce_sum3A_788 = vector.multi_reduction <add>, %convert_element_type3A_783, %reduce_sum3A_787 [1] : vector<32x2048xf32> to vector<32xf32>
    %broadcast_in_dim3A_789 = vector.shape_cast %reduce_sum3A_788 : vector<32xf32> to vector<32x1xf32>
    %add3A_790 = arith.addf %mul3A_786, %broadcast_in_dim3A_789 : vector<32x1xf32>
    %swap3A_791 = arith.constant 0 : index
    %swap3A_792 = arith.constant 65536 : index
    %swap3A_793 = vector.load %arg3[%swap3A_791, %swap3A_792] : memref<32x100352xf32, #tpu.memory_space<vmem>>, vector<32x2048xf32>
    tpu.vector_store %arg3[%swap3A_791, %swap3A_792], %dot_general3A_774 {strides = array<i32>} : memref<32x100352xf32, #tpu.memory_space<vmem>>, vector<32x2048xf32>,
    %get3A_794 = arith.constant 0 : index
    %get3A_795 = arith.constant 67584 : index
    %get3A_796 = vector.load %arg2[%get3A_794, %get3A_795] : memref<80x100352xbf16, #tpu.memory_space<vmem>>, vector<80x2048xbf16>
    %dot_general3A_797 = arith.constant dense<0.000000e+00> : vector<32x2048xf32>
    %dot_general3A_798 = tpu.matmul %convert_element_type3A, %get3A_796, %dot_general3A_797 {dimension_numbers = #tpu.dot_dimension_numbers<[1], [0], [0], [1], [0, 0, 1, 1], [], []>, transpose_lhs_hint = false} : vector<32x80xbf16>, vector<80x2048xbf16>, vector<32x2048xf32> -> vector<32x2048xf32>
    %reduce_max3A_799 = arith.constant dense<0xFF800000> : vector<32xf32>
    %reduce_max3A_800 = vector.multi_reduction <maximumf>, %dot_general3A_798, %reduce_max3A_799 [1] : vector<32x2048xf32> to vector<32xf32>
    %broadcast_in_dim3A_801 = vector.shape_cast %reduce_max3A_800 : vector<32xf32> to vector<32x1xf32>
    %max3A_802 = arith.maximumf %max3A_778, %broadcast_in_dim3A_801 : vector<32x1xf32>
    %sub3A_803 = vector.broadcast %max3A_802 : vector<32x1xf32> to vector<32x2048xf32>
    %sub3A_804 = arith.subf %dot_general3A_798, %sub3A_803 : vector<32x2048xf32>
    %convert_element_type3A_805 = arith.truncf %sub3A_804 : vector<32x2048xf32> to vector<32x2048xbf16>
    %exp3A_806 = math.exp %convert_element_type3A_805 : vector<32x2048xbf16>
    %convert_element_type3A_807 = arith.extf %exp3A_806 : vector<32x2048xbf16> to vector<32x2048xf32>
    %sub3A_808 = arith.subf %max3A_778, %max3A_802 : vector<32x1xf32>
    %exp3A_809 = math.exp %sub3A_808 : vector<32x1xf32>
    %mul3A_810 = arith.mulf %add3A_790, %exp3A_809 : vector<32x1xf32>
    %reduce_sum3A_811 = arith.constant dense<0.000000e+00> : vector<32xf32>
    %reduce_sum3A_812 = vector.multi_reduction <add>, %convert_element_type3A_807, %reduce_sum3A_811 [1] : vector<32x2048xf32> to vector<32xf32>
    %broadcast_in_dim3A_813 = vector.shape_cast %reduce_sum3A_812 : vector<32xf32> to vector<32x1xf32>
    %add3A_814 = arith.addf %mul3A_810, %broadcast_in_dim3A_813 : vector<32x1xf32>
    %swap3A_815 = arith.constant 0 : index
    %swap3A_816 = arith.constant 67584 : index
    %swap3A_817 = vector.load %arg3[%swap3A_815, %swap3A_816] : memref<32x100352xf32, #tpu.memory_space<vmem>>, vector<32x2048xf32>
    tpu.vector_store %arg3[%swap3A_815, %swap3A_816], %dot_general3A_798 {strides = array<i32>} : memref<32x100352xf32, #tpu.memory_space<vmem>>, vector<32x2048xf32>,
    %get3A_818 = arith.constant 0 : index
    %get3A_819 = arith.constant 69632 : index
    %get3A_820 = vector.load %arg2[%get3A_818, %get3A_819] : memref<80x100352xbf16, #tpu.memory_space<vmem>>, vector<80x2048xbf16>
    %dot_general3A_821 = arith.constant dense<0.000000e+00> : vector<32x2048xf32>
    %dot_general3A_822 = tpu.matmul %convert_element_type3A, %get3A_820, %dot_general3A_821 {dimension_numbers = #tpu.dot_dimension_numbers<[1], [0], [0], [1], [0, 0, 1, 1], [], []>, transpose_lhs_hint = false} : vector<32x80xbf16>, vector<80x2048xbf16>, vector<32x2048xf32> -> vector<32x2048xf32>
    %reduce_max3A_823 = arith.constant dense<0xFF800000> : vector<32xf32>
    %reduce_max3A_824 = vector.multi_reduction <maximumf>, %dot_general3A_822, %reduce_max3A_823 [1] : vector<32x2048xf32> to vector<32xf32>
    %broadcast_in_dim3A_825 = vector.shape_cast %reduce_max3A_824 : vector<32xf32> to vector<32x1xf32>
    %max3A_826 = arith.maximumf %max3A_802, %broadcast_in_dim3A_825 : vector<32x1xf32>
    %sub3A_827 = vector.broadcast %max3A_826 : vector<32x1xf32> to vector<32x2048xf32>
    %sub3A_828 = arith.subf %dot_general3A_822, %sub3A_827 : vector<32x2048xf32>
    %convert_element_type3A_829 = arith.truncf %sub3A_828 : vector<32x2048xf32> to vector<32x2048xbf16>
    %exp3A_830 = math.exp %convert_element_type3A_829 : vector<32x2048xbf16>
    %convert_element_type3A_831 = arith.extf %exp3A_830 : vector<32x2048xbf16> to vector<32x2048xf32>
    %sub3A_832 = arith.subf %max3A_802, %max3A_826 : vector<32x1xf32>
    %exp3A_833 = math.exp %sub3A_832 : vector<32x1xf32>
    %mul3A_834 = arith.mulf %add3A_814, %exp3A_833 : vector<32x1xf32>
    %reduce_sum3A_835 = arith.constant dense<0.000000e+00> : vector<32xf32>
    %reduce_sum3A_836 = vector.multi_reduction <add>, %convert_element_type3A_831, %reduce_sum3A_835 [1] : vector<32x2048xf32> to vector<32xf32>
    %broadcast_in_dim3A_837 = vector.shape_cast %reduce_sum3A_836 : vector<32xf32> to vector<32x1xf32>
    %add3A_838 = arith.addf %mul3A_834, %broadcast_in_dim3A_837 : vector<32x1xf32>
    %swap3A_839 = arith.constant 0 : index
    %swap3A_840 = arith.constant 69632 : index
    %swap3A_841 = vector.load %arg3[%swap3A_839, %swap3A_840] : memref<32x100352xf32, #tpu.memory_space<vmem>>, vector<32x2048xf32>
    tpu.vector_store %arg3[%swap3A_839, %swap3A_840], %dot_general3A_822 {strides = array<i32>} : memref<32x100352xf32, #tpu.memory_space<vmem>>, vector<32x2048xf32>,
    %get3A_842 = arith.constant 0 : index
    %get3A_843 = arith.constant 71680 : index
    %get3A_844 = vector.load %arg2[%get3A_842, %get3A_843] : memref<80x100352xbf16, #tpu.memory_space<vmem>>, vector<80x2048xbf16>
    %dot_general3A_845 = arith.constant dense<0.000000e+00> : vector<32x2048xf32>
    %dot_general3A_846 = tpu.matmul %convert_element_type3A, %get3A_844, %dot_general3A_845 {dimension_numbers = #tpu.dot_dimension_numbers<[1], [0], [0], [1], [0, 0, 1, 1], [], []>, transpose_lhs_hint = false} : vector<32x80xbf16>, vector<80x2048xbf16>, vector<32x2048xf32> -> vector<32x2048xf32>
    %reduce_max3A_847 = arith.constant dense<0xFF800000> : vector<32xf32>
    %reduce_max3A_848 = vector.multi_reduction <maximumf>, %dot_general3A_846, %reduce_max3A_847 [1] : vector<32x2048xf32> to vector<32xf32>
    %broadcast_in_dim3A_849 = vector.shape_cast %reduce_max3A_848 : vector<32xf32> to vector<32x1xf32>
    %max3A_850 = arith.maximumf %max3A_826, %broadcast_in_dim3A_849 : vector<32x1xf32>
    %sub3A_851 = vector.broadcast %max3A_850 : vector<32x1xf32> to vector<32x2048xf32>
    %sub3A_852 = arith.subf %dot_general3A_846, %sub3A_851 : vector<32x2048xf32>
    %convert_element_type3A_853 = arith.truncf %sub3A_852 : vector<32x2048xf32> to vector<32x2048xbf16>
    %exp3A_854 = math.exp %convert_element_type3A_853 : vector<32x2048xbf16>
    %convert_element_type3A_855 = arith.extf %exp3A_854 : vector<32x2048xbf16> to vector<32x2048xf32>
    %sub3A_856 = arith.subf %max3A_826, %max3A_850 : vector<32x1xf32>
    %exp3A_857 = math.exp %sub3A_856 : vector<32x1xf32>
    %mul3A_858 = arith.mulf %add3A_838, %exp3A_857 : vector<32x1xf32>
    %reduce_sum3A_859 = arith.constant dense<0.000000e+00> : vector<32xf32>
    %reduce_sum3A_860 = vector.multi_reduction <add>, %convert_element_type3A_855, %reduce_sum3A_859 [1] : vector<32x2048xf32> to vector<32xf32>
    %broadcast_in_dim3A_861 = vector.shape_cast %reduce_sum3A_860 : vector<32xf32> to vector<32x1xf32>
    %add3A_862 = arith.addf %mul3A_858, %broadcast_in_dim3A_861 : vector<32x1xf32>
    %swap3A_863 = arith.constant 0 : index
    %swap3A_864 = arith.constant 71680 : index
    %swap3A_865 = vector.load %arg3[%swap3A_863, %swap3A_864] : memref<32x100352xf32, #tpu.memory_space<vmem>>, vector<32x2048xf32>
    tpu.vector_store %arg3[%swap3A_863, %swap3A_864], %dot_general3A_846 {strides = array<i32>} : memref<32x100352xf32, #tpu.memory_space<vmem>>, vector<32x2048xf32>,
    %get3A_866 = arith.constant 0 : index
    %get3A_867 = arith.constant 73728 : index
    %get3A_868 = vector.load %arg2[%get3A_866, %get3A_867] : memref<80x100352xbf16, #tpu.memory_space<vmem>>, vector<80x2048xbf16>
    %dot_general3A_869 = arith.constant dense<0.000000e+00> : vector<32x2048xf32>
    %dot_general3A_870 = tpu.matmul %convert_element_type3A, %get3A_868, %dot_general3A_869 {dimension_numbers = #tpu.dot_dimension_numbers<[1], [0], [0], [1], [0, 0, 1, 1], [], []>, transpose_lhs_hint = false} : vector<32x80xbf16>, vector<80x2048xbf16>, vector<32x2048xf32> -> vector<32x2048xf32>
    %reduce_max3A_871 = arith.constant dense<0xFF800000> : vector<32xf32>
    %reduce_max3A_872 = vector.multi_reduction <maximumf>, %dot_general3A_870, %reduce_max3A_871 [1] : vector<32x2048xf32> to vector<32xf32>
    %broadcast_in_dim3A_873 = vector.shape_cast %reduce_max3A_872 : vector<32xf32> to vector<32x1xf32>
    %max3A_874 = arith.maximumf %max3A_850, %broadcast_in_dim3A_873 : vector<32x1xf32>
    %sub3A_875 = vector.broadcast %max3A_874 : vector<32x1xf32> to vector<32x2048xf32>
    %sub3A_876 = arith.subf %dot_general3A_870, %sub3A_875 : vector<32x2048xf32>
    %convert_element_type3A_877 = arith.truncf %sub3A_876 : vector<32x2048xf32> to vector<32x2048xbf16>
    %exp3A_878 = math.exp %convert_element_type3A_877 : vector<32x2048xbf16>
    %convert_element_type3A_879 = arith.extf %exp3A_878 : vector<32x2048xbf16> to vector<32x2048xf32>
    %sub3A_880 = arith.subf %max3A_850, %max3A_874 : vector<32x1xf32>
    %exp3A_881 = math.exp %sub3A_880 : vector<32x1xf32>
    %mul3A_882 = arith.mulf %add3A_862, %exp3A_881 : vector<32x1xf32>
    %reduce_sum3A_883 = arith.constant dense<0.000000e+00> : vector<32xf32>
    %reduce_sum3A_884 = vector.multi_reduction <add>, %convert_element_type3A_879, %reduce_sum3A_883 [1] : vector<32x2048xf32> to vector<32xf32>
    %broadcast_in_dim3A_885 = vector.shape_cast %reduce_sum3A_884 : vector<32xf32> to vector<32x1xf32>
    %add3A_886 = arith.addf %mul3A_882, %broadcast_in_dim3A_885 : vector<32x1xf32>
    %swap3A_887 = arith.constant 0 : index
    %swap3A_888 = arith.constant 73728 : index
    %swap3A_889 = vector.load %arg3[%swap3A_887, %swap3A_888] : memref<32x100352xf32, #tpu.memory_space<vmem>>, vector<32x2048xf32>
    tpu.vector_store %arg3[%swap3A_887, %swap3A_888], %dot_general3A_870 {strides = array<i32>} : memref<32x100352xf32, #tpu.memory_space<vmem>>, vector<32x2048xf32>,
    %get3A_890 = arith.constant 0 : index
    %get3A_891 = arith.constant 75776 : index
    %get3A_892 = vector.load %arg2[%get3A_890, %get3A_891] : memref<80x100352xbf16, #tpu.memory_space<vmem>>, vector<80x2048xbf16>
    %dot_general3A_893 = arith.constant dense<0.000000e+00> : vector<32x2048xf32>
    %dot_general3A_894 = tpu.matmul %convert_element_type3A, %get3A_892, %dot_general3A_893 {dimension_numbers = #tpu.dot_dimension_numbers<[1], [0], [0], [1], [0, 0, 1, 1], [], []>, transpose_lhs_hint = false} : vector<32x80xbf16>, vector<80x2048xbf16>, vector<32x2048xf32> -> vector<32x2048xf32>
    %reduce_max3A_895 = arith.constant dense<0xFF800000> : vector<32xf32>
    %reduce_max3A_896 = vector.multi_reduction <maximumf>, %dot_general3A_894, %reduce_max3A_895 [1] : vector<32x2048xf32> to vector<32xf32>
    %broadcast_in_dim3A_897 = vector.shape_cast %reduce_max3A_896 : vector<32xf32> to vector<32x1xf32>
    %max3A_898 = arith.maximumf %max3A_874, %broadcast_in_dim3A_897 : vector<32x1xf32>
    %sub3A_899 = vector.broadcast %max3A_898 : vector<32x1xf32> to vector<32x2048xf32>
    %sub3A_900 = arith.subf %dot_general3A_894, %sub3A_899 : vector<32x2048xf32>
    %convert_element_type3A_901 = arith.truncf %sub3A_900 : vector<32x2048xf32> to vector<32x2048xbf16>
    %exp3A_902 = math.exp %convert_element_type3A_901 : vector<32x2048xbf16>
    %convert_element_type3A_903 = arith.extf %exp3A_902 : vector<32x2048xbf16> to vector<32x2048xf32>
    %sub3A_904 = arith.subf %max3A_874, %max3A_898 : vector<32x1xf32>
    %exp3A_905 = math.exp %sub3A_904 : vector<32x1xf32>
    %mul3A_906 = arith.mulf %add3A_886, %exp3A_905 : vector<32x1xf32>
    %reduce_sum3A_907 = arith.constant dense<0.000000e+00> : vector<32xf32>
    %reduce_sum3A_908 = vector.multi_reduction <add>, %convert_element_type3A_903, %reduce_sum3A_907 [1] : vector<32x2048xf32> to vector<32xf32>
    %broadcast_in_dim3A_909 = vector.shape_cast %reduce_sum3A_908 : vector<32xf32> to vector<32x1xf32>
    %add3A_910 = arith.addf %mul3A_906, %broadcast_in_dim3A_909 : vector<32x1xf32>
    %swap3A_911 = arith.constant 0 : index
    %swap3A_912 = arith.constant 75776 : index
    %swap3A_913 = vector.load %arg3[%swap3A_911, %swap3A_912] : memref<32x100352xf32, #tpu.memory_space<vmem>>, vector<32x2048xf32>
    tpu.vector_store %arg3[%swap3A_911, %swap3A_912], %dot_general3A_894 {strides = array<i32>} : memref<32x100352xf32, #tpu.memory_space<vmem>>, vector<32x2048xf32>,
    %get3A_914 = arith.constant 0 : index
    %get3A_915 = arith.constant 77824 : index
    %get3A_916 = vector.load %arg2[%get3A_914, %get3A_915] : memref<80x100352xbf16, #tpu.memory_space<vmem>>, vector<80x2048xbf16>
    %dot_general3A_917 = arith.constant dense<0.000000e+00> : vector<32x2048xf32>
    %dot_general3A_918 = tpu.matmul %convert_element_type3A, %get3A_916, %dot_general3A_917 {dimension_numbers = #tpu.dot_dimension_numbers<[1], [0], [0], [1], [0, 0, 1, 1], [], []>, transpose_lhs_hint = false} : vector<32x80xbf16>, vector<80x2048xbf16>, vector<32x2048xf32> -> vector<32x2048xf32>
    %reduce_max3A_919 = arith.constant dense<0xFF800000> : vector<32xf32>
    %reduce_max3A_920 = vector.multi_reduction <maximumf>, %dot_general3A_918, %reduce_max3A_919 [1] : vector<32x2048xf32> to vector<32xf32>
    %broadcast_in_dim3A_921 = vector.shape_cast %reduce_max3A_920 : vector<32xf32> to vector<32x1xf32>
    %max3A_922 = arith.maximumf %max3A_898, %broadcast_in_dim3A_921 : vector<32x1xf32>
    %sub3A_923 = vector.broadcast %max3A_922 : vector<32x1xf32> to vector<32x2048xf32>
    %sub3A_924 = arith.subf %dot_general3A_918, %sub3A_923 : vector<32x2048xf32>
    %convert_element_type3A_925 = arith.truncf %sub3A_924 : vector<32x2048xf32> to vector<32x2048xbf16>
    %exp3A_926 = math.exp %convert_element_type3A_925 : vector<32x2048xbf16>
    %convert_element_type3A_927 = arith.extf %exp3A_926 : vector<32x2048xbf16> to vector<32x2048xf32>
    %sub3A_928 = arith.subf %max3A_898, %max3A_922 : vector<32x1xf32>
    %exp3A_929 = math.exp %sub3A_928 : vector<32x1xf32>
    %mul3A_930 = arith.mulf %add3A_910, %exp3A_929 : vector<32x1xf32>
    %reduce_sum3A_931 = arith.constant dense<0.000000e+00> : vector<32xf32>
    %reduce_sum3A_932 = vector.multi_reduction <add>, %convert_element_type3A_927, %reduce_sum3A_931 [1] : vector<32x2048xf32> to vector<32xf32>
    %broadcast_in_dim3A_933 = vector.shape_cast %reduce_sum3A_932 : vector<32xf32> to vector<32x1xf32>
    %add3A_934 = arith.addf %mul3A_930, %broadcast_in_dim3A_933 : vector<32x1xf32>
    %swap3A_935 = arith.constant 0 : index
    %swap3A_936 = arith.constant 77824 : index
    %swap3A_937 = vector.load %arg3[%swap3A_935, %swap3A_936] : memref<32x100352xf32, #tpu.memory_space<vmem>>, vector<32x2048xf32>
    tpu.vector_store %arg3[%swap3A_935, %swap3A_936], %dot_general3A_918 {strides = array<i32>} : memref<32x100352xf32, #tpu.memory_space<vmem>>, vector<32x2048xf32>,
    %get3A_938 = arith.constant 0 : index
    %get3A_939 = arith.constant 79872 : index
    %get3A_940 = vector.load %arg2[%get3A_938, %get3A_939] : memref<80x100352xbf16, #tpu.memory_space<vmem>>, vector<80x2048xbf16>
    %dot_general3A_941 = arith.constant dense<0.000000e+00> : vector<32x2048xf32>
    %dot_general3A_942 = tpu.matmul %convert_element_type3A, %get3A_940, %dot_general3A_941 {dimension_numbers = #tpu.dot_dimension_numbers<[1], [0], [0], [1], [0, 0, 1, 1], [], []>, transpose_lhs_hint = false} : vector<32x80xbf16>, vector<80x2048xbf16>, vector<32x2048xf32> -> vector<32x2048xf32>
    %reduce_max3A_943 = arith.constant dense<0xFF800000> : vector<32xf32>
    %reduce_max3A_944 = vector.multi_reduction <maximumf>, %dot_general3A_942, %reduce_max3A_943 [1] : vector<32x2048xf32> to vector<32xf32>
    %broadcast_in_dim3A_945 = vector.shape_cast %reduce_max3A_944 : vector<32xf32> to vector<32x1xf32>
    %max3A_946 = arith.maximumf %max3A_922, %broadcast_in_dim3A_945 : vector<32x1xf32>
    %sub3A_947 = vector.broadcast %max3A_946 : vector<32x1xf32> to vector<32x2048xf32>
    %sub3A_948 = arith.subf %dot_general3A_942, %sub3A_947 : vector<32x2048xf32>
    %convert_element_type3A_949 = arith.truncf %sub3A_948 : vector<32x2048xf32> to vector<32x2048xbf16>
    %exp3A_950 = math.exp %convert_element_type3A_949 : vector<32x2048xbf16>
    %convert_element_type3A_951 = arith.extf %exp3A_950 : vector<32x2048xbf16> to vector<32x2048xf32>
    %sub3A_952 = arith.subf %max3A_922, %max3A_946 : vector<32x1xf32>
    %exp3A_953 = math.exp %sub3A_952 : vector<32x1xf32>
    %mul3A_954 = arith.mulf %add3A_934, %exp3A_953 : vector<32x1xf32>
    %reduce_sum3A_955 = arith.constant dense<0.000000e+00> : vector<32xf32>
    %reduce_sum3A_956 = vector.multi_reduction <add>, %convert_element_type3A_951, %reduce_sum3A_955 [1] : vector<32x2048xf32> to vector<32xf32>
    %broadcast_in_dim3A_957 = vector.shape_cast %reduce_sum3A_956 : vector<32xf32> to vector<32x1xf32>
    %add3A_958 = arith.addf %mul3A_954, %broadcast_in_dim3A_957 : vector<32x1xf32>
    %swap3A_959 = arith.constant 0 : index
    %swap3A_960 = arith.constant 79872 : index
    %swap3A_961 = vector.load %arg3[%swap3A_959, %swap3A_960] : memref<32x100352xf32, #tpu.memory_space<vmem>>, vector<32x2048xf32>
    tpu.vector_store %arg3[%swap3A_959, %swap3A_960], %dot_general3A_942 {strides = array<i32>} : memref<32x100352xf32, #tpu.memory_space<vmem>>, vector<32x2048xf32>,
    %get3A_962 = arith.constant 0 : index
    %get3A_963 = arith.constant 81920 : index
    %get3A_964 = vector.load %arg2[%get3A_962, %get3A_963] : memref<80x100352xbf16, #tpu.memory_space<vmem>>, vector<80x2048xbf16>
    %dot_general3A_965 = arith.constant dense<0.000000e+00> : vector<32x2048xf32>
    %dot_general3A_966 = tpu.matmul %convert_element_type3A, %get3A_964, %dot_general3A_965 {dimension_numbers = #tpu.dot_dimension_numbers<[1], [0], [0], [1], [0, 0, 1, 1], [], []>, transpose_lhs_hint = false} : vector<32x80xbf16>, vector<80x2048xbf16>, vector<32x2048xf32> -> vector<32x2048xf32>
    %reduce_max3A_967 = arith.constant dense<0xFF800000> : vector<32xf32>
    %reduce_max3A_968 = vector.multi_reduction <maximumf>, %dot_general3A_966, %reduce_max3A_967 [1] : vector<32x2048xf32> to vector<32xf32>
    %broadcast_in_dim3A_969 = vector.shape_cast %reduce_max3A_968 : vector<32xf32> to vector<32x1xf32>
    %max3A_970 = arith.maximumf %max3A_946, %broadcast_in_dim3A_969 : vector<32x1xf32>
    %sub3A_971 = vector.broadcast %max3A_970 : vector<32x1xf32> to vector<32x2048xf32>
    %sub3A_972 = arith.subf %dot_general3A_966, %sub3A_971 : vector<32x2048xf32>
    %convert_element_type3A_973 = arith.truncf %sub3A_972 : vector<32x2048xf32> to vector<32x2048xbf16>
    %exp3A_974 = math.exp %convert_element_type3A_973 : vector<32x2048xbf16>
    %convert_element_type3A_975 = arith.extf %exp3A_974 : vector<32x2048xbf16> to vector<32x2048xf32>
    %sub3A_976 = arith.subf %max3A_946, %max3A_970 : vector<32x1xf32>
    %exp3A_977 = math.exp %sub3A_976 : vector<32x1xf32>
    %mul3A_978 = arith.mulf %add3A_958, %exp3A_977 : vector<32x1xf32>
    %reduce_sum3A_979 = arith.constant dense<0.000000e+00> : vector<32xf32>
    %reduce_sum3A_980 = vector.multi_reduction <add>, %convert_element_type3A_975, %reduce_sum3A_979 [1] : vector<32x2048xf32> to vector<32xf32>
    %broadcast_in_dim3A_981 = vector.shape_cast %reduce_sum3A_980 : vector<32xf32> to vector<32x1xf32>
    %add3A_982 = arith.addf %mul3A_978, %broadcast_in_dim3A_981 : vector<32x1xf32>
    %swap3A_983 = arith.constant 0 : index
    %swap3A_984 = arith.constant 81920 : index
    %swap3A_985 = vector.load %arg3[%swap3A_983, %swap3A_984] : memref<32x100352xf32, #tpu.memory_space<vmem>>, vector<32x2048xf32>
    tpu.vector_store %arg3[%swap3A_983, %swap3A_984], %dot_general3A_966 {strides = array<i32>} : memref<32x100352xf32, #tpu.memory_space<vmem>>, vector<32x2048xf32>,
    %get3A_986 = arith.constant 0 : index
    %get3A_987 = arith.constant 83968 : index
    %get3A_988 = vector.load %arg2[%get3A_986, %get3A_987] : memref<80x100352xbf16, #tpu.memory_space<vmem>>, vector<80x2048xbf16>
    %dot_general3A_989 = arith.constant dense<0.000000e+00> : vector<32x2048xf32>
    %dot_general3A_990 = tpu.matmul %convert_element_type3A, %get3A_988, %dot_general3A_989 {dimension_numbers = #tpu.dot_dimension_numbers<[1], [0], [0], [1], [0, 0, 1, 1], [], []>, transpose_lhs_hint = false} : vector<32x80xbf16>, vector<80x2048xbf16>, vector<32x2048xf32> -> vector<32x2048xf32>
    %reduce_max3A_991 = arith.constant dense<0xFF800000> : vector<32xf32>
    %reduce_max3A_992 = vector.multi_reduction <maximumf>, %dot_general3A_990, %reduce_max3A_991 [1] : vector<32x2048xf32> to vector<32xf32>
    %broadcast_in_dim3A_993 = vector.shape_cast %reduce_max3A_992 : vector<32xf32> to vector<32x1xf32>
    %max3A_994 = arith.maximumf %max3A_970, %broadcast_in_dim3A_993 : vector<32x1xf32>
    %sub3A_995 = vector.broadcast %max3A_994 : vector<32x1xf32> to vector<32x2048xf32>
    %sub3A_996 = arith.subf %dot_general3A_990, %sub3A_995 : vector<32x2048xf32>
    %convert_element_type3A_997 = arith.truncf %sub3A_996 : vector<32x2048xf32> to vector<32x2048xbf16>
    %exp3A_998 = math.exp %convert_element_type3A_997 : vector<32x2048xbf16>
    %convert_element_type3A_999 = arith.extf %exp3A_998 : vector<32x2048xbf16> to vector<32x2048xf32>
    %sub3A_1000 = arith.subf %max3A_970, %max3A_994 : vector<32x1xf32>
    %exp3A_1001 = math.exp %sub3A_1000 : vector<32x1xf32>
    %mul3A_1002 = arith.mulf %add3A_982, %exp3A_1001 : vector<32x1xf32>
    %reduce_sum3A_1003 = arith.constant dense<0.000000e+00> : vector<32xf32>
    %reduce_sum3A_1004 = vector.multi_reduction <add>, %convert_element_type3A_999, %reduce_sum3A_1003 [1] : vector<32x2048xf32> to vector<32xf32>
    %broadcast_in_dim3A_1005 = vector.shape_cast %reduce_sum3A_1004 : vector<32xf32> to vector<32x1xf32>
    %add3A_1006 = arith.addf %mul3A_1002, %broadcast_in_dim3A_1005 : vector<32x1xf32>
    %swap3A_1007 = arith.constant 0 : index
    %swap3A_1008 = arith.constant 83968 : index
    %swap3A_1009 = vector.load %arg3[%swap3A_1007, %swap3A_1008] : memref<32x100352xf32, #tpu.memory_space<vmem>>, vector<32x2048xf32>
    tpu.vector_store %arg3[%swap3A_1007, %swap3A_1008], %dot_general3A_990 {strides = array<i32>} : memref<32x100352xf32, #tpu.memory_space<vmem>>, vector<32x2048xf32>,
    %get3A_1010 = arith.constant 0 : index
    %get3A_1011 = arith.constant 86016 : index
    %get3A_1012 = vector.load %arg2[%get3A_1010, %get3A_1011] : memref<80x100352xbf16, #tpu.memory_space<vmem>>, vector<80x2048xbf16>
    %dot_general3A_1013 = arith.constant dense<0.000000e+00> : vector<32x2048xf32>
    %dot_general3A_1014 = tpu.matmul %convert_element_type3A, %get3A_1012, %dot_general3A_1013 {dimension_numbers = #tpu.dot_dimension_numbers<[1], [0], [0], [1], [0, 0, 1, 1], [], []>, transpose_lhs_hint = false} : vector<32x80xbf16>, vector<80x2048xbf16>, vector<32x2048xf32> -> vector<32x2048xf32>
    %reduce_max3A_1015 = arith.constant dense<0xFF800000> : vector<32xf32>
    %reduce_max3A_1016 = vector.multi_reduction <maximumf>, %dot_general3A_1014, %reduce_max3A_1015 [1] : vector<32x2048xf32> to vector<32xf32>
    %broadcast_in_dim3A_1017 = vector.shape_cast %reduce_max3A_1016 : vector<32xf32> to vector<32x1xf32>
    %max3A_1018 = arith.maximumf %max3A_994, %broadcast_in_dim3A_1017 : vector<32x1xf32>
    %sub3A_1019 = vector.broadcast %max3A_1018 : vector<32x1xf32> to vector<32x2048xf32>
    %sub3A_1020 = arith.subf %dot_general3A_1014, %sub3A_1019 : vector<32x2048xf32>
    %convert_element_type3A_1021 = arith.truncf %sub3A_1020 : vector<32x2048xf32> to vector<32x2048xbf16>
    %exp3A_1022 = math.exp %convert_element_type3A_1021 : vector<32x2048xbf16>
    %convert_element_type3A_1023 = arith.extf %exp3A_1022 : vector<32x2048xbf16> to vector<32x2048xf32>
    %sub3A_1024 = arith.subf %max3A_994, %max3A_1018 : vector<32x1xf32>
    %exp3A_1025 = math.exp %sub3A_1024 : vector<32x1xf32>
    %mul3A_1026 = arith.mulf %add3A_1006, %exp3A_1025 : vector<32x1xf32>
    %reduce_sum3A_1027 = arith.constant dense<0.000000e+00> : vector<32xf32>
    %reduce_sum3A_1028 = vector.multi_reduction <add>, %convert_element_type3A_1023, %reduce_sum3A_1027 [1] : vector<32x2048xf32> to vector<32xf32>
    %broadcast_in_dim3A_1029 = vector.shape_cast %reduce_sum3A_1028 : vector<32xf32> to vector<32x1xf32>
    %add3A_1030 = arith.addf %mul3A_1026, %broadcast_in_dim3A_1029 : vector<32x1xf32>
    %swap3A_1031 = arith.constant 0 : index
    %swap3A_1032 = arith.constant 86016 : index
    %swap3A_1033 = vector.load %arg3[%swap3A_1031, %swap3A_1032] : memref<32x100352xf32, #tpu.memory_space<vmem>>, vector<32x2048xf32>
    tpu.vector_store %arg3[%swap3A_1031, %swap3A_1032], %dot_general3A_1014 {strides = array<i32>} : memref<32x100352xf32, #tpu.memory_space<vmem>>, vector<32x2048xf32>,
    %get3A_1034 = arith.constant 0 : index
    %get3A_1035 = arith.constant 88064 : index
    %get3A_1036 = vector.load %arg2[%get3A_1034, %get3A_1035] : memref<80x100352xbf16, #tpu.memory_space<vmem>>, vector<80x2048xbf16>
    %dot_general3A_1037 = arith.constant dense<0.000000e+00> : vector<32x2048xf32>
    %dot_general3A_1038 = tpu.matmul %convert_element_type3A, %get3A_1036, %dot_general3A_1037 {dimension_numbers = #tpu.dot_dimension_numbers<[1], [0], [0], [1], [0, 0, 1, 1], [], []>, transpose_lhs_hint = false} : vector<32x80xbf16>, vector<80x2048xbf16>, vector<32x2048xf32> -> vector<32x2048xf32>
    %reduce_max3A_1039 = arith.constant dense<0xFF800000> : vector<32xf32>
    %reduce_max3A_1040 = vector.multi_reduction <maximumf>, %dot_general3A_1038, %reduce_max3A_1039 [1] : vector<32x2048xf32> to vector<32xf32>
    %broadcast_in_dim3A_1041 = vector.shape_cast %reduce_max3A_1040 : vector<32xf32> to vector<32x1xf32>
    %max3A_1042 = arith.maximumf %max3A_1018, %broadcast_in_dim3A_1041 : vector<32x1xf32>
    %sub3A_1043 = vector.broadcast %max3A_1042 : vector<32x1xf32> to vector<32x2048xf32>
    %sub3A_1044 = arith.subf %dot_general3A_1038, %sub3A_1043 : vector<32x2048xf32>
    %convert_element_type3A_1045 = arith.truncf %sub3A_1044 : vector<32x2048xf32> to vector<32x2048xbf16>
    %exp3A_1046 = math.exp %convert_element_type3A_1045 : vector<32x2048xbf16>
    %convert_element_type3A_1047 = arith.extf %exp3A_1046 : vector<32x2048xbf16> to vector<32x2048xf32>
    %sub3A_1048 = arith.subf %max3A_1018, %max3A_1042 : vector<32x1xf32>
    %exp3A_1049 = math.exp %sub3A_1048 : vector<32x1xf32>
    %mul3A_1050 = arith.mulf %add3A_1030, %exp3A_1049 : vector<32x1xf32>
    %reduce_sum3A_1051 = arith.constant dense<0.000000e+00> : vector<32xf32>
    %reduce_sum3A_1052 = vector.multi_reduction <add>, %convert_element_type3A_1047, %reduce_sum3A_1051 [1] : vector<32x2048xf32> to vector<32xf32>
    %broadcast_in_dim3A_1053 = vector.shape_cast %reduce_sum3A_1052 : vector<32xf32> to vector<32x1xf32>
    %add3A_1054 = arith.addf %mul3A_1050, %broadcast_in_dim3A_1053 : vector<32x1xf32>
    %swap3A_1055 = arith.constant 0 : index
    %swap3A_1056 = arith.constant 88064 : index
    %swap3A_1057 = vector.load %arg3[%swap3A_1055, %swap3A_1056] : memref<32x100352xf32, #tpu.memory_space<vmem>>, vector<32x2048xf32>
    tpu.vector_store %arg3[%swap3A_1055, %swap3A_1056], %dot_general3A_1038 {strides = array<i32>} : memref<32x100352xf32, #tpu.memory_space<vmem>>, vector<32x2048xf32>,
    %get3A_1058 = arith.constant 0 : index
    %get3A_1059 = arith.constant 90112 : index
    %get3A_1060 = vector.load %arg2[%get3A_1058, %get3A_1059] : memref<80x100352xbf16, #tpu.memory_space<vmem>>, vector<80x2048xbf16>
    %dot_general3A_1061 = arith.constant dense<0.000000e+00> : vector<32x2048xf32>
    %dot_general3A_1062 = tpu.matmul %convert_element_type3A, %get3A_1060, %dot_general3A_1061 {dimension_numbers = #tpu.dot_dimension_numbers<[1], [0], [0], [1], [0, 0, 1, 1], [], []>, transpose_lhs_hint = false} : vector<32x80xbf16>, vector<80x2048xbf16>, vector<32x2048xf32> -> vector<32x2048xf32>
    %reduce_max3A_1063 = arith.constant dense<0xFF800000> : vector<32xf32>
    %reduce_max3A_1064 = vector.multi_reduction <maximumf>, %dot_general3A_1062, %reduce_max3A_1063 [1] : vector<32x2048xf32> to vector<32xf32>
    %broadcast_in_dim3A_1065 = vector.shape_cast %reduce_max3A_1064 : vector<32xf32> to vector<32x1xf32>
    %max3A_1066 = arith.maximumf %max3A_1042, %broadcast_in_dim3A_1065 : vector<32x1xf32>
    %sub3A_1067 = vector.broadcast %max3A_1066 : vector<32x1xf32> to vector<32x2048xf32>
    %sub3A_1068 = arith.subf %dot_general3A_1062, %sub3A_1067 : vector<32x2048xf32>
    %convert_element_type3A_1069 = arith.truncf %sub3A_1068 : vector<32x2048xf32> to vector<32x2048xbf16>
    %exp3A_1070 = math.exp %convert_element_type3A_1069 : vector<32x2048xbf16>
    %convert_element_type3A_1071 = arith.extf %exp3A_1070 : vector<32x2048xbf16> to vector<32x2048xf32>
    %sub3A_1072 = arith.subf %max3A_1042, %max3A_1066 : vector<32x1xf32>
    %exp3A_1073 = math.exp %sub3A_1072 : vector<32x1xf32>
    %mul3A_1074 = arith.mulf %add3A_1054, %exp3A_1073 : vector<32x1xf32>
    %reduce_sum3A_1075 = arith.constant dense<0.000000e+00> : vector<32xf32>
    %reduce_sum3A_1076 = vector.multi_reduction <add>, %convert_element_type3A_1071, %reduce_sum3A_1075 [1] : vector<32x2048xf32> to vector<32xf32>
    %broadcast_in_dim3A_1077 = vector.shape_cast %reduce_sum3A_1076 : vector<32xf32> to vector<32x1xf32>
    %add3A_1078 = arith.addf %mul3A_1074, %broadcast_in_dim3A_1077 : vector<32x1xf32>
    %swap3A_1079 = arith.constant 0 : index
    %swap3A_1080 = arith.constant 90112 : index
    %swap3A_1081 = vector.load %arg3[%swap3A_1079, %swap3A_1080] : memref<32x100352xf32, #tpu.memory_space<vmem>>, vector<32x2048xf32>
    tpu.vector_store %arg3[%swap3A_1079, %swap3A_1080], %dot_general3A_1062 {strides = array<i32>} : memref<32x100352xf32, #tpu.memory_space<vmem>>, vector<32x2048xf32>,
    %get3A_1082 = arith.constant 0 : index
    %get3A_1083 = arith.constant 92160 : index
    %get3A_1084 = vector.load %arg2[%get3A_1082, %get3A_1083] : memref<80x100352xbf16, #tpu.memory_space<vmem>>, vector<80x2048xbf16>
    %dot_general3A_1085 = arith.constant dense<0.000000e+00> : vector<32x2048xf32>
    %dot_general3A_1086 = tpu.matmul %convert_element_type3A, %get3A_1084, %dot_general3A_1085 {dimension_numbers = #tpu.dot_dimension_numbers<[1], [0], [0], [1], [0, 0, 1, 1], [], []>, transpose_lhs_hint = false} : vector<32x80xbf16>, vector<80x2048xbf16>, vector<32x2048xf32> -> vector<32x2048xf32>
    %reduce_max3A_1087 = arith.constant dense<0xFF800000> : vector<32xf32>
    %reduce_max3A_1088 = vector.multi_reduction <maximumf>, %dot_general3A_1086, %reduce_max3A_1087 [1] : vector<32x2048xf32> to vector<32xf32>
    %broadcast_in_dim3A_1089 = vector.shape_cast %reduce_max3A_1088 : vector<32xf32> to vector<32x1xf32>
    %max3A_1090 = arith.maximumf %max3A_1066, %broadcast_in_dim3A_1089 : vector<32x1xf32>
    %sub3A_1091 = vector.broadcast %max3A_1090 : vector<32x1xf32> to vector<32x2048xf32>
    %sub3A_1092 = arith.subf %dot_general3A_1086, %sub3A_1091 : vector<32x2048xf32>
    %convert_element_type3A_1093 = arith.truncf %sub3A_1092 : vector<32x2048xf32> to vector<32x2048xbf16>
    %exp3A_1094 = math.exp %convert_element_type3A_1093 : vector<32x2048xbf16>
    %convert_element_type3A_1095 = arith.extf %exp3A_1094 : vector<32x2048xbf16> to vector<32x2048xf32>
    %sub3A_1096 = arith.subf %max3A_1066, %max3A_1090 : vector<32x1xf32>
    %exp3A_1097 = math.exp %sub3A_1096 : vector<32x1xf32>
    %mul3A_1098 = arith.mulf %add3A_1078, %exp3A_1097 : vector<32x1xf32>
    %reduce_sum3A_1099 = arith.constant dense<0.000000e+00> : vector<32xf32>
    %reduce_sum3A_1100 = vector.multi_reduction <add>, %convert_element_type3A_1095, %reduce_sum3A_1099 [1] : vector<32x2048xf32> to vector<32xf32>
    %broadcast_in_dim3A_1101 = vector.shape_cast %reduce_sum3A_1100 : vector<32xf32> to vector<32x1xf32>
    %add3A_1102 = arith.addf %mul3A_1098, %broadcast_in_dim3A_1101 : vector<32x1xf32>
    %swap3A_1103 = arith.constant 0 : index
    %swap3A_1104 = arith.constant 92160 : index
    %swap3A_1105 = vector.load %arg3[%swap3A_1103, %swap3A_1104] : memref<32x100352xf32, #tpu.memory_space<vmem>>, vector<32x2048xf32>
    tpu.vector_store %arg3[%swap3A_1103, %swap3A_1104], %dot_general3A_1086 {strides = array<i32>} : memref<32x100352xf32, #tpu.memory_space<vmem>>, vector<32x2048xf32>,
    %get3A_1106 = arith.constant 0 : index
    %get3A_1107 = arith.constant 94208 : index
    %get3A_1108 = vector.load %arg2[%get3A_1106, %get3A_1107] : memref<80x100352xbf16, #tpu.memory_space<vmem>>, vector<80x2048xbf16>
    %dot_general3A_1109 = arith.constant dense<0.000000e+00> : vector<32x2048xf32>
    %dot_general3A_1110 = tpu.matmul %convert_element_type3A, %get3A_1108, %dot_general3A_1109 {dimension_numbers = #tpu.dot_dimension_numbers<[1], [0], [0], [1], [0, 0, 1, 1], [], []>, transpose_lhs_hint = false} : vector<32x80xbf16>, vector<80x2048xbf16>, vector<32x2048xf32> -> vector<32x2048xf32>
    %reduce_max3A_1111 = arith.constant dense<0xFF800000> : vector<32xf32>
    %reduce_max3A_1112 = vector.multi_reduction <maximumf>, %dot_general3A_1110, %reduce_max3A_1111 [1] : vector<32x2048xf32> to vector<32xf32>
    %broadcast_in_dim3A_1113 = vector.shape_cast %reduce_max3A_1112 : vector<32xf32> to vector<32x1xf32>
    %max3A_1114 = arith.maximumf %max3A_1090, %broadcast_in_dim3A_1113 : vector<32x1xf32>
    %sub3A_1115 = vector.broadcast %max3A_1114 : vector<32x1xf32> to vector<32x2048xf32>
    %sub3A_1116 = arith.subf %dot_general3A_1110, %sub3A_1115 : vector<32x2048xf32>
    %convert_element_type3A_1117 = arith.truncf %sub3A_1116 : vector<32x2048xf32> to vector<32x2048xbf16>
    %exp3A_1118 = math.exp %convert_element_type3A_1117 : vector<32x2048xbf16>
    %convert_element_type3A_1119 = arith.extf %exp3A_1118 : vector<32x2048xbf16> to vector<32x2048xf32>
    %sub3A_1120 = arith.subf %max3A_1090, %max3A_1114 : vector<32x1xf32>
    %exp3A_1121 = math.exp %sub3A_1120 : vector<32x1xf32>
    %mul3A_1122 = arith.mulf %add3A_1102, %exp3A_1121 : vector<32x1xf32>
    %reduce_sum3A_1123 = arith.constant dense<0.000000e+00> : vector<32xf32>
    %reduce_sum3A_1124 = vector.multi_reduction <add>, %convert_element_type3A_1119, %reduce_sum3A_1123 [1] : vector<32x2048xf32> to vector<32xf32>
    %broadcast_in_dim3A_1125 = vector.shape_cast %reduce_sum3A_1124 : vector<32xf32> to vector<32x1xf32>
    %add3A_1126 = arith.addf %mul3A_1122, %broadcast_in_dim3A_1125 : vector<32x1xf32>
    %swap3A_1127 = arith.constant 0 : index
    %swap3A_1128 = arith.constant 94208 : index
    %swap3A_1129 = vector.load %arg3[%swap3A_1127, %swap3A_1128] : memref<32x100352xf32, #tpu.memory_space<vmem>>, vector<32x2048xf32>
    tpu.vector_store %arg3[%swap3A_1127, %swap3A_1128], %dot_general3A_1110 {strides = array<i32>} : memref<32x100352xf32, #tpu.memory_space<vmem>>, vector<32x2048xf32>,
    %get3A_1130 = arith.constant 0 : index
    %get3A_1131 = arith.constant 96256 : index
    %get3A_1132 = vector.load %arg2[%get3A_1130, %get3A_1131] : memref<80x100352xbf16, #tpu.memory_space<vmem>>, vector<80x2048xbf16>
    %dot_general3A_1133 = arith.constant dense<0.000000e+00> : vector<32x2048xf32>
    %dot_general3A_1134 = tpu.matmul %convert_element_type3A, %get3A_1132, %dot_general3A_1133 {dimension_numbers = #tpu.dot_dimension_numbers<[1], [0], [0], [1], [0, 0, 1, 1], [], []>, transpose_lhs_hint = false} : vector<32x80xbf16>, vector<80x2048xbf16>, vector<32x2048xf32> -> vector<32x2048xf32>
    %reduce_max3A_1135 = arith.constant dense<0xFF800000> : vector<32xf32>
    %reduce_max3A_1136 = vector.multi_reduction <maximumf>, %dot_general3A_1134, %reduce_max3A_1135 [1] : vector<32x2048xf32> to vector<32xf32>
    %broadcast_in_dim3A_1137 = vector.shape_cast %reduce_max3A_1136 : vector<32xf32> to vector<32x1xf32>
    %max3A_1138 = arith.maximumf %max3A_1114, %broadcast_in_dim3A_1137 : vector<32x1xf32>
    %sub3A_1139 = vector.broadcast %max3A_1138 : vector<32x1xf32> to vector<32x2048xf32>
    %sub3A_1140 = arith.subf %dot_general3A_1134, %sub3A_1139 : vector<32x2048xf32>
    %convert_element_type3A_1141 = arith.truncf %sub3A_1140 : vector<32x2048xf32> to vector<32x2048xbf16>
    %exp3A_1142 = math.exp %convert_element_type3A_1141 : vector<32x2048xbf16>
    %convert_element_type3A_1143 = arith.extf %exp3A_1142 : vector<32x2048xbf16> to vector<32x2048xf32>
    %sub3A_1144 = arith.subf %max3A_1114, %max3A_1138 : vector<32x1xf32>
    %exp3A_1145 = math.exp %sub3A_1144 : vector<32x1xf32>
    %mul3A_1146 = arith.mulf %add3A_1126, %exp3A_1145 : vector<32x1xf32>
    %reduce_sum3A_1147 = arith.constant dense<0.000000e+00> : vector<32xf32>
    %reduce_sum3A_1148 = vector.multi_reduction <add>, %convert_element_type3A_1143, %reduce_sum3A_1147 [1] : vector<32x2048xf32> to vector<32xf32>
    %broadcast_in_dim3A_1149 = vector.shape_cast %reduce_sum3A_1148 : vector<32xf32> to vector<32x1xf32>
    %add3A_1150 = arith.addf %mul3A_1146, %broadcast_in_dim3A_1149 : vector<32x1xf32>
    %swap3A_1151 = arith.constant 0 : index
    %swap3A_1152 = arith.constant 96256 : index
    %swap3A_1153 = vector.load %arg3[%swap3A_1151, %swap3A_1152] : memref<32x100352xf32, #tpu.memory_space<vmem>>, vector<32x2048xf32>
    tpu.vector_store %arg3[%swap3A_1151, %swap3A_1152], %dot_general3A_1134 {strides = array<i32>} : memref<32x100352xf32, #tpu.memory_space<vmem>>, vector<32x2048xf32>,
    %get3A_1154 = arith.constant 0 : index
    %get3A_1155 = arith.constant 98304 : index
    %get3A_1156 = vector.load %arg2[%get3A_1154, %get3A_1155] : memref<80x100352xbf16, #tpu.memory_space<vmem>>, vector<80x2048xbf16>
    %dot_general3A_1157 = arith.constant dense<0.000000e+00> : vector<32x2048xf32>
    %dot_general3A_1158 = tpu.matmul %convert_element_type3A, %get3A_1156, %dot_general3A_1157 {dimension_numbers = #tpu.dot_dimension_numbers<[1], [0], [0], [1], [0, 0, 1, 1], [], []>, transpose_lhs_hint = false} : vector<32x80xbf16>, vector<80x2048xbf16>, vector<32x2048xf32> -> vector<32x2048xf32>
    %reduce_max3A_1159 = arith.constant dense<0xFF800000> : vector<32xf32>
    %reduce_max3A_1160 = vector.multi_reduction <maximumf>, %dot_general3A_1158, %reduce_max3A_1159 [1] : vector<32x2048xf32> to vector<32xf32>
    %broadcast_in_dim3A_1161 = vector.shape_cast %reduce_max3A_1160 : vector<32xf32> to vector<32x1xf32>
    %max3A_1162 = arith.maximumf %max3A_1138, %broadcast_in_dim3A_1161 : vector<32x1xf32>
    %sub3A_1163 = vector.broadcast %max3A_1162 : vector<32x1xf32> to vector<32x2048xf32>
    %sub3A_1164 = arith.subf %dot_general3A_1158, %sub3A_1163 : vector<32x2048xf32>
    %convert_element_type3A_1165 = arith.truncf %sub3A_1164 : vector<32x2048xf32> to vector<32x2048xbf16>
    %exp3A_1166 = math.exp %convert_element_type3A_1165 : vector<32x2048xbf16>
    %convert_element_type3A_1167 = arith.extf %exp3A_1166 : vector<32x2048xbf16> to vector<32x2048xf32>
    %sub3A_1168 = arith.subf %max3A_1138, %max3A_1162 : vector<32x1xf32>
    %exp3A_1169 = math.exp %sub3A_1168 : vector<32x1xf32>
    %mul3A_1170 = arith.mulf %add3A_1150, %exp3A_1169 : vector<32x1xf32>
    %reduce_sum3A_1171 = arith.constant dense<0.000000e+00> : vector<32xf32>
    %reduce_sum3A_1172 = vector.multi_reduction <add>, %convert_element_type3A_1167, %reduce_sum3A_1171 [1] : vector<32x2048xf32> to vector<32xf32>
    %broadcast_in_dim3A_1173 = vector.shape_cast %reduce_sum3A_1172 : vector<32xf32> to vector<32x1xf32>
    %add3A_1174 = arith.addf %mul3A_1170, %broadcast_in_dim3A_1173 : vector<32x1xf32>
    %swap3A_1175 = arith.constant 0 : index
    %swap3A_1176 = arith.constant 98304 : index
    %swap3A_1177 = vector.load %arg3[%swap3A_1175, %swap3A_1176] : memref<32x100352xf32, #tpu.memory_space<vmem>>, vector<32x2048xf32>
    tpu.vector_store %arg3[%swap3A_1175, %swap3A_1176], %dot_general3A_1158 {strides = array<i32>} : memref<32x100352xf32, #tpu.memory_space<vmem>>, vector<32x2048xf32>,
    %log3A = math.log %add3A_1174 : vector<32x1xf32>
    %add3A_1178 = arith.addf %max3A_1162, %log3A : vector<32x1xf32>
    %swap3A_1179 = arith.constant 0 : index
    %swap3A_1180 = arith.constant 0 : index
    %swap3A_1181 = vector.load %arg4[%swap3A_1179, %swap3A_1180] : memref<32x1xf32, #tpu.memory_space<vmem>>, vector<32x1xf32>
    tpu.vector_store %arg4[%swap3A_1179, %swap3A_1180], %add3A_1178 {strides = array<i32>} : memref<32x1xf32, #tpu.memory_space<vmem>>, vector<32x1xf32>,
    return
  }
  func.func @transform_0(%arg0: i32) -> (i32, i32, i32) {
    %c0_i32 = arith.constant 0 : i32
    %c0_i32_0 = arith.constant 0 : i32
    %c0_i32_1 = arith.constant 0 : i32
    return %c0_i32, %arg0, %c0_i32_0 : i32, i32, i32
  }
  func.func @transform_1(%arg0: i32) -> (i32, i32) {
    %c0_i32 = arith.constant 0 : i32
    %c0_i32_0 = arith.constant 0 : i32
    %c0_i32_1 = arith.constant 0 : i32
    return %c0_i32, %c0_i32_0 : i32, i32
  }
  func.func @transform_2(%arg0: i32) -> (i32, i32) {
    %c0_i32 = arith.constant 0 : i32
    %c0_i32_0 = arith.constant 0 : i32
    return %arg0, %c0_i32 : i32, i32
  }
  func.func @transform_3(%arg0: i32) -> (i32, i32) {
    %c0_i32 = arith.constant 0 : i32
    %c0_i32_0 = arith.constant 0 : i32
    return %arg0, %c0_i32 : i32, i32
  }
}

</mosaic_0001>

<sc_bundles>
// kernel: kernel.4.cloned.1.call-start
scs
__scs_entry_jumppad:
0x0: {  	(pc) =	sbr.rel $0x88, $3  }
0x1: {  	(tag) =	ssettag $0x0;
	lr =	simm.s32 $0x1  }
0x2: {  	[smem:$0x3F9D] =	sst lr;
	_ =	strace $0xD0000000  }
0x3: {  	_ = 	snop  }
0x4: {  	_ = 	snop  }
0x5: {  	_ = 	snop  }
0x6: {  	_ = 	snop  }
0x7: {  	_ = 	snop  }
__scs_overlays_trampoline_lowered:
0x8: {  	[smem:$0x3FAC] =	sst s0  }
0x9: {  	[smem:$0x3FAD] =	sst s1  }
0xa: {  	[smem:$0x3FAE] =	sst s2  }
0xb: {  	[smem:$0x3FAF] =	sst s3  }
0xc: {  	[smem:$0x3FB0] =	sst s4  }
0xd: {  	[smem:$0x3FB1] =	sst s5  }
0xe: {  	[smem:$0x3FB2] =	sst s6  }
0xf: {  	[smem:$0x3FB3] =	sst s7  }
0x10: {  	[smem:$0x3FB4] =	sst s8  }
0x11: {  	[smem:$0x3FB5] =	sst s9;
	s0 =	simm.s32 @!p0 $0x0  }
0x12: {  	s1 =	sld [smem:$0x3F9B];
	s0 =	simm.s32 @p0 $0x1  }
0x13: {  	[smem:$0x3FB6] =	sst s0;
	s0 =	simm.s32 @!p1 $0x0  }
0x14: {  	s2 =	sld [smem:$0x3F9A];
	s0 =	simm.s32 @p1 $0x1  }
0x15: {  	[smem:$0x3FB7] =	sst s0;
	s0 =	simm.s32 @!p2 $0x0  }
0x16: {  	s3 =	sld [smem:$0x3FDB];
	s0 =	simm.s32 @p2 $0x1  }
0x17: {  	s4 =	simm.s32 $0x1BF5;
	[smem:$0x3FB9] =	sst s0  }
0x18: {  	s0 =	sld [smem:$0x3F9C];
	_ =	swait.ge [sflag:s4], $0x0  }
0x19: {  	s7 =	sld [smem:$0x3F9D]  }
0x1a: {  	s8 =	sadd.s32 $0xFFFFE003, lr  }
0x1b: {  	s9 =	sadd.s32 $0xFFFFFEF7, lr;
	s5 =	simm.s32 $0xFFFFFFFF;
	p2 =	slt.u32 s8, $0xFFFFF086  }
0x1c: {  	p1 =	slt.u32 s9, $0xF7A;
	s5 =	simm.s32 @!p2 $0x0  }
0x1d: {  	s5 =	simm.s32 @p1 $0x1;
	p0 =	seq.s32 s7, s2  }
0x1e: {  	s7 =	smul.u32 @!p0 $0xF7A, s2;
	p2 =	seq.s32 @!p0 s5, $0x0  }
0x1f: {  	s9 =	smul.u32 $0xF7A, s1;
	s8 =	simm.s32 @!p0 $0x1BF5;
	p2 =	por !p2, p0  }
0x20: {  	[sflag:s8] =	ssyncset.s32 @!p0 $0xFFFFF086;
	s6 =	sadd.s32 @!p0 s3, s7;
	s7 =	simm.s32 @!p0 $0x108  }
0x21: {  	s3 =	sadd.s32 s3, s9;
	s6 =	sadd.s32 @!p0 $0x88, s6;
	s7 =	simm.s32 @p2 $0x1082  }
0x22: {  	[simem:s7], [sflag:s8] =	dma.local @!p0 [hbm:s6], $0xF7A  }
0x23: {  	s9 =	sor.u32 $0xD0000000, s2;
	s6 =	simm.s32 $0x108;
	_ =	swait.ge @!p0 [sflag:s8], $0x0  }
0x24: {  	s3 =	sadd.s32 $0x88, s3;
	s6 =	simm.s32 @!p1 $0x1082;
	[sflag:s4] =	ssyncset.s32 $0xFFFFF086  }
0x25: {  	[simem:s6], [sflag:s4] =	dma.local [hbm:s3], $0xF7A  }
0x26: {  	[smem:$0x3F9D] =	sst s1;
	(tag) =	ssettag s2;
	_ =	strace s9  }
0x27: {  	s1 =	sld [smem:$0x3FAD]  }
0x28: {  	s2 =	sld [smem:$0x3FAE]  }
0x29: {  	s4 =	sld [smem:$0x3FB0]  }
0x2a: {  	p0 =	seq.s32 s5, $0x0;
	s5 =	sld [smem:$0x3FB1]  }
0x2b: {  	s6 =	sld [smem:$0x3FB2]  }
0x2c: {  	s7 =	sld [smem:$0x3FB3]  }
0x2d: {  	s3 =	simm.s32 $0x108;
	s8 =	sld [smem:$0x3FB4]  }
0x2e: {  	s3 =	simm.s32 @!p0 $0x1082;
	s9 =	sld [smem:$0x3FB5]  }
0x2f: {  	lr =	sadd.s32 s0, s3;
	s0 =	sld [smem:$0x3FAC]  }
0x30: {  	s3 =	sld [smem:$0x3FAF]  }
0x31: {  	[smem:$0x3FB8] =	sst s10  }
0x32: {  	s10 =	sld [smem:$0x3FB6];
	_ =	sdelay $0x3  }
0x33: {  	p0 =	seq.s32 s10, $0x1;
	s10 =	sld [smem:$0x3FB8];
	_ =	sdelay $0x3  }
0x34: {  	[smem:$0x3FB8] =	sst s10  }
0x35: {  	s10 =	sld [smem:$0x3FB7];
	_ =	sdelay $0x3  }
0x36: {  	p1 =	seq.s32 s10, $0x1;
	s10 =	sld [smem:$0x3FB8];
	_ =	sdelay $0x3  }
0x37: {  	[smem:$0x3FB8] =	sst s10  }
0x38: {  	s10 =	sld [smem:$0x3FB9]  }
0x39: {  	_ = 	snop;
	(pc) =	sbr.ind lr, $3  }
0x3a: {  	_ = 	snop  }
0x3b: {  	_ = 	snop  }
0x3c: {  	p2 =	seq.s32 s10, $0x1;
	s10 =	sld [smem:$0x3FB8]  }
0x3d: {  	_ =	shalt  }
0x3e: {  	_ =	shalt  }
0x3f: {  	_ =	shalt  }
0x40: {  	_ =	shalt  }
0x41: {  	_ =	shalt  }
0x42: {  	_ =	shalt  }
0x43: {  	_ =	shalt  }
0x44: {  	_ =	shalt  }
0x45: {  	_ =	shalt  }
0x46: {  	_ =	shalt  }
0x47: {  	_ =	shalt  }
0x48: {  	_ =	shalt  }
0x49: {  	_ =	shalt  }
0x4a: {  	_ =	shalt  }
0x4b: {  	_ =	shalt  }
0x4c: {  	_ =	shalt  }
0x4d: {  	_ =	shalt  }
0x4e: {  	_ =	shalt  }
0x4f: {  	_ =	shalt  }
0x50: {  	_ =	shalt  }
0x51: {  	_ =	shalt  }
0x52: {  	_ =	shalt  }
0x53: {  	_ =	shalt  }
0x54: {  	_ =	shalt  }
0x55: {  	_ =	shalt  }
0x56: {  	_ =	shalt  }
0x57: {  	_ =	shalt  }
0x58: {  	_ =	shalt  }
0x59: {  	_ =	shalt  }
0x5a: {  	_ =	shalt  }
0x5b: {  	_ =	shalt  }
0x5c: {  	_ =	shalt  }
0x5d: {  	_ =	shalt  }
0x5e: {  	_ =	shalt  }
0x5f: {  	_ =	shalt  }
0x60: {  	_ =	shalt  }
0x61: {  	_ =	shalt  }
0x62: {  	_ =	shalt  }
0x63: {  	_ =	shalt  }
0x64: {  	_ =	shalt  }
0x65: {  	_ =	shalt  }
0x66: {  	_ =	shalt  }
0x67: {  	_ =	shalt  }
0x68: {  	_ =	shalt  }
0x69: {  	_ =	shalt  }
0x6a: {  	_ =	shalt  }
0x6b: {  	_ =	shalt  }
0x6c: {  	_ =	shalt  }
0x6d: {  	_ =	shalt  }
0x6e: {  	_ =	shalt  }
0x6f: {  	_ =	shalt  }
0x70: {  	_ =	shalt  }
0x71: {  	_ =	shalt  }
0x72: {  	_ =	shalt  }
0x73: {  	_ =	shalt  }
0x74: {  	_ =	shalt  }
0x75: {  	_ =	shalt  }
0x76: {  	_ =	shalt  }
0x77: {  	_ =	shalt  }
0x78: {  	_ =	shalt  }
0x79: {  	_ =	shalt  }
0x7a: {  	_ =	shalt  }
0x7b: {  	_ =	shalt  }
0x7c: {  	_ =	shalt  }
0x7d: {  	_ =	shalt  }
0x7e: {  	_ =	shalt  }
0x7f: {  	_ =	shalt  }
0x80: {  	_ =	shalt  }
0x81: {  	_ =	shalt  }
0x82: {  	_ =	shalt  }
0x83: {  	_ =	shalt  }
0x84: {  	_ =	shalt  }
0x85: {  	_ =	shalt  }
0x86: {  	_ =	shalt  }
0x87: {  	_ =	shalt  }
.Lfunc_end0:
.L_simem_size_0:
called_computation.1_lowered:
.L_overlay_start_0:
0x88: {  	s2 =	sld [smem:$0x3FD9]  }
0x89: {  	s3 =	sld [smem:$0x3FFE];
	_ =	sdelay $0x1  }
0x8a: {  	s1 =	srdreg.scid  }
0x8b: {  	s0 =	sand.u32 $0x1, s1  }
0x8c: {  	s16 =	sshll.u32 s0, $0xA;
	s2 =	sadd.s32 s3, s2  }
0x8d: {  	s2 =	sadd.s32 s2, s16  }
0x8e: {  	[smem:$0x3FC4] =	sst s2  }
0x8f: {  	_ = 	snop  }
0x90: {  	(tm) =	ssettm $0x1  }
0x91: {  	s17 =	sld [smem:$0x3FFB];
	_ =	sdelay $0x3  }
0x92: {  	_ =	strace s17  }
0x93: {  	s2 =	sld [smem:$0x3FFC];
	_ =	sdelay $0x3  }
0x94: {  	_ =	strace s2  }
0x95: {  	s2 =	sld [smem:$0x3FFD];
	_ =	sdelay $0x3  }
0x96: {  	_ =	strace s2  }
0x97: {  	_ =	strace $0x8FFFFFFF  }
0x98: {  	s18 =	sld [smem:$0x3FDB];
	_ =	sdelay $0x1  }
0x99: {  	s19 =	simm.s32 $_scs_section_size  }
0x9a: {  	s4 =	simm.s32 $_size__tile_overlayer_lowered;
	s5 =	simm.s32 $_tile_overlayer_lowered  }
0x9b: {  	s22 =	simm.s32 $0x1BFF;
	s21 =	sshll.u32 s5, $0x1;
	s2 =	sadd.s32 s19, s18  }
0x9c: {  	s6 =	simm.s32 $0x0;
	s20 =	sshll.u32 s4, $0x1;
	s4 =	sadd.s32 s21, s2  }
0x9d: {  	[timem:s6], [sflag:s22] =	dma.local [hbm:s4], s20  }
0x9e: {  	_ =	swait.ge [sflag:s22], s20  }
0x9f: {  	s3 =	ssub.s32 $0x0, s20;
	[sflag:s22] =	ssyncset.done $0x0  }
0xa0: {  	[sflag:s22] =	ssyncadd.s32 s3;
	_ =	sdelay $0x1  }
0xa1: {  	s23 =	simm.s32 $0x1B8B  }
0xa2: {  	_ =	swait.ge [sflag:s23], $0x1  }
0xa3: {  	[sflag:s23] =	ssyncset.done $0x0  }
0xa4: {  	s25 =	simm.s32 $0x1B8E;
	s24 =	sld [smem:$0x3FFE];
	[sflag:s23] =	ssyncadd.s32 $0xFFFFFFFF  }
0xa5: {  	s26 =	simm.s32 $execute0_lowered;
	[smem:$0x3FD2] =	sst s25  }
0xa6: {  	s4 =	sshll.u32 s26, $0x1;
	_ =	strace $0x80000046;
	[dreg:$0x1] =	wrdreg $0xFFFFFFFF  }
0xa7: {  	s28 =	simm.s32 $_size_execute0_lowered;
	s2 =	sadd.s32 s2, s4;
	[dreg:$0x0] =	wrdreg $0x0  }
0xa8: {  	s4 =	sshll.u32 s28, $0x1;
	[dreg:$0x2] =	wrdreg s2  }
0xa9: {  	[dreg:$0x3] =	wrdreg s4  }
0xaa: {  	[dreg:$0x4] =	wrdreg $0xC0  }
0xab: {  	_ =	task [dreg:s6], $0x5FFFF  }
0xac: {  	[dreg:$0x1] =	wrdreg $0xFFFFFFFF  }
0xad: {  	[dreg:$0x0] =	wrdreg $0x60  }
0xae: {  	[dreg:$0x2] =	wrdreg s24  }
0xaf: {  	[dreg:$0x3] =	wrdreg $0x9  }
0xb0: {  	_ =	task.clear_ibuf [dreg:s6], $0x4FFFF;
	_ =	strace $0x90000046  }
0xb1: {  	s29 =	simm.s32 $0x9;
	_ =	strace $0x8000004F  }
0xb2: {  	_ =	swait.ge [sflag:s29], $0x1  }
0xb3: {  	[sflag:s29] =	ssyncadd.s32 $0xFFFFFFFF  }
0xb4: {  	_ =	strace $0x9000004F  }
0xb5: {  	_ =	sfence  }
0xb6: {  	s30 =	sld [smem:$0x0];
	_ =	sdelay $0x2  }
0xb7: {  	s31 =	sshll.u32 s1, $0xD;
	s1 =	sshrl.u32 s1, $0x2  }
0xb8: {  	s3 =	sand.u32 $0x4000, s31;
	s1 =	sadd.s32 s1, s30  }
0xb9: {  	s0 =	sor.u32 s3, s0;
	s1 =	sshll.u32 s1, $0x11  }
0xba: {  	s0 =	sor.u32 s1, s0  }
0xbb: {  	s0 =	sadd.s32 $0x8F2B, s0  }
0xbc: {  	[sflag:s0] =	ssyncadd.remote.s32 $0x1  }
0xbd: {  	_ =	sfence.sel $0xFFFF  }
0xbe: {  	[dreg:$0x0] =	wrdreg $0xFFFFFFFF;
	(pc) =	sbr.abs _section_cstart, $3  }
0xbf: {  	[dreg:$0x1] =	wrdreg $0xFFFFFFFF  }
0xc0: {  	_ =	task.clear_ibuf [dreg:s6], $0x2FFFF;
	_ =	strace $0x9FFFFFFF  }
0xc1: {  	(tm) =	ssettm $0x7FFFFFFF  }
tec
execute0_lowered:
.L_overlay_start_1:
0x0: {  	(tag) =	ssettag $0x1  }
0x1: {  	s0 =	srdreg.scid  }
0x2: {  	s22 =	sand.u32 $0x1, s0  }
0x3: {  	s0 =	stileid.u32;
	s1 =	sshll.u32 s22, $0x4  }
0x4: {  	s11 =	sor.u32 s0, s1  }
0x5: {  	s10 =	rddreg [dreg:$0x0];
	s2 =	simm.s32 $0x0;
	s3 =	smul.u32 $0x50, s11  }
0x6: {  	[smem:$0x7FF] =	sst s2  }
0x7: {  	s1 =	rddreg [dreg:$0x1];
	_ =	strace $0x80000047;
	s19 =	sadd.s32 s3, s10  }
0x8: {  	_ =	strace $0x80000048;
	s3 =	sadd.s32 $0x800, s19  }
0x9: {  	[tilespmem:s2], [sflag:$0x1] =	stream.linear.gather [hbm4b:s3+s2], $0x80, $0x200038;
	[tilespmem:$0x8100] =	vst v63  }
0xa: {  	_ =	strace $0x90000048  }
0xb: {  	s5 =	simm.s32 $0x80;
	s4 =	sadd.s32 $0x810, s19;
	_ =	strace $0x80000049  }
0xc: {  	[tilespmem:s5], [sflag:$0x2] =	stream.linear.gather [hbm4b:s4+s2], $0x80, $0x200038;
	[tilespmem:$0x8100] =	vst v63  }
0xd: {  	_ =	strace $0x90000049  }
0xe: {  	s6 =	simm.s32 $0x1;
	_ =	strace $0x8000004A  }
0xf: {  	_ =	swait.ge [sflag:s6], $0x80  }
0x10: {  	[sflag:s6] =	ssyncset.done $0x0  }
0x11: {  	[sflag:s6] =	ssyncadd.s32 $0xFFFFFF80  }
0x12: {  	s8 =	simm.s32 $0x100;
	_ =	strace $0x9000004A  }
0x13: {  	s9 =	simm.s32 $0x5;
	s7 =	sadd.s32 $0x1200, s10;
	_ =	strace $0x8000004B  }
0x14: {  	[tilespmem:s8], [sflag:$0x5] =	stream.indirect.gather [hbm4b:s7+s5], $0x80, s2, s5, $0x2000b8;
	[tilespmem:$0x8100] =	vst v63  }
0x15: {  	_ =	swait.ge [sflag:s9], $0x4000  }
0x16: {  	s11 =	smul.u32 $0x2800, s11;
	[sflag:s9] =	ssyncset.done $0x0  }
0x17: {  	[sflag:s9] =	ssyncadd.s32 $0xFFFFC000  }
0x18: {  	s21 =	sadd.s32 s11, s10;
	_ =	strace $0x9000004B  }
0x19: {  	s10 =	sadd.s32 $0x187C00, s21;
	_ =	strace $0x8000004C  }
0x1a: {  	[hbm4b:s10+s2] =	stream.linear.scatter [tilespmem:s8], [sflag:$0x3], $0x4000, $0x200038;
	[tilespmem:$0x8100] =	vst v63  }
0x1b: {  	_ =	strace $0x9000004C  }
0x1c: {  	s11 =	sadd.s32 $0x820, s19;
	_ =	strace $0x80000049  }
0x1d: {  	[tilespmem:s2], [sflag:$0x1] =	stream.linear.gather [hbm4b:s11+s2], $0x80, $0x200038;
	[tilespmem:$0x8100] =	vst v63  }
0x1e: {  	_ =	strace $0x90000049  }
0x1f: {  	s12 =	simm.s32 $0x2;
	_ =	strace $0x8000004A  }
0x20: {  	_ =	swait.ge [sflag:s12], $0x80  }
0x21: {  	[sflag:s12] =	ssyncset.done $0x0  }
0x22: {  	[sflag:s12] =	ssyncadd.s32 $0xFFFFFF80  }
0x23: {  	_ =	strace $0x9000004A  }
0x24: {  	s13 =	simm.s32 $0x4100;
	_ =	strace $0x8000004B  }
0x25: {  	[tilespmem:s13], [sflag:$0x5] =	stream.indirect.gather [hbm4b:s7+s5], $0x80, s5, s5, $0x2000b8;
	[tilespmem:$0x8100] =	vst v63  }
0x26: {  	_ =	swait.ge [sflag:s9], $0x4000  }
0x27: {  	[sflag:s9] =	ssyncset.done $0x0  }
0x28: {  	[sflag:s9] =	ssyncadd.s32 $0xFFFFC000  }
0x29: {  	_ =	strace $0x9000004B  }
0x2a: {  	s14 =	sadd.s32 $0x188400, s21;
	_ =	strace $0x8000004C  }
0x2b: {  	[hbm4b:s14+s2] =	stream.linear.scatter [tilespmem:s13], [sflag:$0x4], $0x4000, $0x200038;
	[tilespmem:$0x8100] =	vst v63  }
0x2c: {  	_ =	strace $0x9000004C  }
0x2d: {  	s15 =	simm.s32 $0x3;
	_ =	strace $0x8000004D  }
0x2e: {  	_ =	swait.ge [sflag:s15], $0x4000  }
0x2f: {  	[sflag:s15] =	ssyncset.done $0x0  }
0x30: {  	[sflag:s15] =	ssyncadd.s32 $0xFFFFC000  }
0x31: {  	_ =	strace $0x9000004D  }
0x32: {  	s16 =	sadd.s32 $0x830, s19;
	_ =	strace $0x80000049  }
0x33: {  	[tilespmem:s5], [sflag:$0x2] =	stream.linear.gather [hbm4b:s16+s2], $0x80, $0x200038;
	[tilespmem:$0x8100] =	vst v63  }
0x34: {  	_ =	strace $0x90000049  }
0x35: {  	_ =	strace $0x8000004A  }
0x36: {  	_ =	swait.ge [sflag:s6], $0x80  }
0x37: {  	[sflag:s6] =	ssyncset.done $0x0  }
0x38: {  	[sflag:s6] =	ssyncadd.s32 $0xFFFFFF80  }
0x39: {  	_ =	strace $0x9000004A  }
0x3a: {  	_ =	strace $0x8000004B  }
0x3b: {  	[tilespmem:s8], [sflag:$0x5] =	stream.indirect.gather [hbm4b:s7+s5], $0x80, s2, s5, $0x2000b8;
	[tilespmem:$0x8100] =	vst v63  }
0x3c: {  	_ =	swait.ge [sflag:s9], $0x4000  }
0x3d: {  	[sflag:s9] =	ssyncset.done $0x0  }
0x3e: {  	[sflag:s9] =	ssyncadd.s32 $0xFFFFC000  }
0x3f: {  	_ =	strace $0x9000004B  }
0x40: {  	s17 =	sadd.s32 $0x188C00, s21;
	_ =	strace $0x8000004C  }
0x41: {  	[hbm4b:s17+s2] =	stream.linear.scatter [tilespmem:s8], [sflag:$0x3], $0x4000, $0x200038;
	[tilespmem:$0x8100] =	vst v63  }
0x42: {  	_ =	strace $0x9000004C  }
0x43: {  	s18 =	simm.s32 $0x4;
	_ =	strace $0x8000004D  }
0x44: {  	_ =	swait.ge [sflag:s18], $0x4000  }
0x45: {  	[sflag:s18] =	ssyncset.done $0x0  }
0x46: {  	[sflag:s18] =	ssyncadd.s32 $0xFFFFC000  }
0x47: {  	_ =	strace $0x9000004D  }
0x48: {  	s19 =	sadd.s32 $0x840, s19;
	_ =	strace $0x80000049  }
0x49: {  	[tilespmem:s2], [sflag:$0x1] =	stream.linear.gather [hbm4b:s19+s2], $0x80, $0x200038;
	[tilespmem:$0x8100] =	vst v63  }
0x4a: {  	_ =	strace $0x90000049  }
0x4b: {  	_ =	strace $0x8000004A  }
0x4c: {  	_ =	swait.ge [sflag:s12], $0x80  }
0x4d: {  	[sflag:s12] =	ssyncset.done $0x0  }
0x4e: {  	[sflag:s12] =	ssyncadd.s32 $0xFFFFFF80  }
0x4f: {  	_ =	strace $0x9000004A  }
0x50: {  	_ =	strace $0x8000004B  }
0x51: {  	[tilespmem:s13], [sflag:$0x5] =	stream.indirect.gather [hbm4b:s7+s5], $0x80, s5, s5, $0x2000b8;
	[tilespmem:$0x8100] =	vst v63  }
0x52: {  	_ =	swait.ge [sflag:s9], $0x4000  }
0x53: {  	[sflag:s9] =	ssyncset.done $0x0  }
0x54: {  	[sflag:s9] =	ssyncadd.s32 $0xFFFFC000  }
0x55: {  	_ =	strace $0x9000004B  }
0x56: {  	s20 =	sadd.s32 $0x189400, s21;
	_ =	strace $0x8000004C  }
0x57: {  	[hbm4b:s20+s2] =	stream.linear.scatter [tilespmem:s13], [sflag:$0x4], $0x4000, $0x200038;
	[tilespmem:$0x8100] =	vst v63  }
0x58: {  	_ =	strace $0x9000004C  }
0x59: {  	_ =	strace $0x8000004D  }
0x5a: {  	_ =	swait.ge [sflag:s15], $0x4000  }
0x5b: {  	[sflag:s15] =	ssyncset.done $0x0  }
0x5c: {  	[sflag:s15] =	ssyncadd.s32 $0xFFFFC000  }
0x5d: {  	_ =	strace $0x9000004D  }
0x5e: {  	_ =	strace $0x8000004A  }
0x5f: {  	_ =	swait.ge [sflag:s6], $0x80  }
0x60: {  	[sflag:s6] =	ssyncset.done $0x0  }
0x61: {  	[sflag:s6] =	ssyncadd.s32 $0xFFFFFF80  }
0x62: {  	_ =	strace $0x9000004A  }
0x63: {  	_ =	strace $0x8000004B  }
0x64: {  	[tilespmem:s8], [sflag:$0x5] =	stream.indirect.gather [hbm4b:s7+s5], $0x80, s2, s5, $0x2000b8;
	[tilespmem:$0x8100] =	vst v63  }
0x65: {  	_ =	swait.ge [sflag:s9], $0x4000  }
0x66: {  	[sflag:s9] =	ssyncset.done $0x0  }
0x67: {  	[sflag:s9] =	ssyncadd.s32 $0xFFFFC000  }
0x68: {  	_ =	strace $0x9000004B  }
0x69: {  	s21 =	sadd.s32 $0x189C00, s21;
	_ =	strace $0x8000004C  }
0x6a: {  	[hbm4b:s21+s2] =	stream.linear.scatter [tilespmem:s8], [sflag:$0x3], $0x4000, $0x200038;
	[tilespmem:$0x8100] =	vst v63  }
0x6b: {  	s22 =	ssub.s32 $0x2, s22;
	_ =	strace $0x9000004C  }
0x6c: {  	s23 =	sshrl.u32 s22, $0x1;
	_ =	strace $0x8000004D  }
0x6d: {  	s22 =	ssub.s32 s22, s23;
	_ =	swait.ge [sflag:s18], $0x4000  }
0x6e: {  	s22 =	smax.u32 s22, $0x1;
	[sflag:s18] =	ssyncset.done $0x0  }
0x6f: {  	p0 =	sne.s32 s22, $0x1;
	[sflag:s18] =	ssyncadd.s32 $0xFFFFC000  }
.Ltmp0:
0x70: {  	_ =	strace $0x9000004D;
	(pc) =	sbr.rel @!p0 .LBB2_2-.Ltmp0, $4  }
0x71: {  	_ =	strace $0x8000004E  }
0x72: {  	_ =	swait.ge [sflag:s15], $0x4000  }
0x73: {  	[sflag:s15] =	ssyncset.done $0x0  }
0x74: {  	s22 =	sadd.s32 $0xFFFFFFFF, s22;
	[sflag:s15] =	ssyncadd.s32 $0xFFFFC000  }
.LBB2_1:
0x75: {  	p0 =	sne.s32 s22, $0x1;
	s22 =	sadd.s32 $0xFFFFFFFF, s22;
	_ =	strace $0x9000004E  }
0x76: {  	_ =	strace $0x80000048  }
0x77: {  	[tilespmem:s2], [sflag:$0x1] =	stream.linear.gather [hbm4b:s3+s2], $0x80, $0x200038;
	[tilespmem:$0x8100] =	vst v63  }
0x78: {  	_ =	strace $0x90000048  }
0x79: {  	_ =	strace $0x80000049  }
0x7a: {  	[tilespmem:s5], [sflag:$0x2] =	stream.linear.gather [hbm4b:s4+s2], $0x80, $0x200038;
	[tilespmem:$0x8100] =	vst v63  }
0x7b: {  	_ =	strace $0x90000049  }
0x7c: {  	_ =	strace $0x8000004A  }
0x7d: {  	_ =	swait.ge [sflag:s6], $0x80  }
0x7e: {  	[sflag:s6] =	ssyncset.done $0x0  }
0x7f: {  	[sflag:s6] =	ssyncadd.s32 $0xFFFFFF80  }
0x80: {  	_ =	strace $0x9000004A  }
0x81: {  	_ =	strace $0x8000004B  }
0x82: {  	[tilespmem:s8], [sflag:$0x5] =	stream.indirect.gather [hbm4b:s7+s5], $0x80, s2, s5, $0x2000b8;
	[tilespmem:$0x8100] =	vst v63  }
0x83: {  	_ =	swait.ge [sflag:s9], $0x4000  }
0x84: {  	[sflag:s9] =	ssyncset.done $0x0  }
0x85: {  	[sflag:s9] =	ssyncadd.s32 $0xFFFFC000  }
0x86: {  	_ =	strace $0x9000004B  }
0x87: {  	_ =	strace $0x8000004C  }
0x88: {  	[hbm4b:s10+s2] =	stream.linear.scatter [tilespmem:s8], [sflag:$0x3], $0x4000, $0x200038;
	[tilespmem:$0x8100] =	vst v63  }
0x89: {  	_ =	strace $0x9000004C  }
0x8a: {  	_ =	strace $0x80000049  }
0x8b: {  	[tilespmem:s2], [sflag:$0x1] =	stream.linear.gather [hbm4b:s11+s2], $0x80, $0x200038;
	[tilespmem:$0x8100] =	vst v63  }
0x8c: {  	_ =	strace $0x90000049  }
0x8d: {  	_ =	strace $0x8000004A  }
0x8e: {  	_ =	swait.ge [sflag:s12], $0x80  }
0x8f: {  	[sflag:s12] =	ssyncset.done $0x0  }
0x90: {  	[sflag:s12] =	ssyncadd.s32 $0xFFFFFF80  }
0x91: {  	_ =	strace $0x9000004A  }
0x92: {  	_ =	strace $0x8000004B  }
0x93: {  	[tilespmem:s13], [sflag:$0x5] =	stream.indirect.gather [hbm4b:s7+s5], $0x80, s5, s5, $0x2000b8;
	[tilespmem:$0x8100] =	vst v63  }
0x94: {  	_ =	swait.ge [sflag:s9], $0x4000  }
0x95: {  	[sflag:s9] =	ssyncset.done $0x0  }
0x96: {  	[sflag:s9] =	ssyncadd.s32 $0xFFFFC000  }
0x97: {  	_ =	strace $0x9000004B  }
0x98: {  	_ =	strace $0x8000004C  }
0x99: {  	[hbm4b:s14+s2] =	stream.linear.scatter [tilespmem:s13], [sflag:$0x4], $0x4000, $0x200038;
	[tilespmem:$0x8100] =	vst v63  }
0x9a: {  	_ =	strace $0x9000004C  }
0x9b: {  	_ =	strace $0x8000004D  }
0x9c: {  	_ =	swait.ge [sflag:s15], $0x4000  }
0x9d: {  	[sflag:s15] =	ssyncset.done $0x0  }
0x9e: {  	[sflag:s15] =	ssyncadd.s32 $0xFFFFC000  }
0x9f: {  	_ =	strace $0x9000004D  }
0xa0: {  	_ =	strace $0x80000049  }
0xa1: {  	[tilespmem:s5], [sflag:$0x2] =	stream.linear.gather [hbm4b:s16+s2], $0x80, $0x200038;
	[tilespmem:$0x8100] =	vst v63  }
0xa2: {  	_ =	strace $0x90000049  }
0xa3: {  	_ =	strace $0x8000004A  }
0xa4: {  	_ =	swait.ge [sflag:s6], $0x80  }
0xa5: {  	[sflag:s6] =	ssyncset.done $0x0  }
0xa6: {  	[sflag:s6] =	ssyncadd.s32 $0xFFFFFF80  }
0xa7: {  	_ =	strace $0x9000004A  }
0xa8: {  	_ =	strace $0x8000004B  }
0xa9: {  	[tilespmem:s8], [sflag:$0x5] =	stream.indirect.gather [hbm4b:s7+s5], $0x80, s2, s5, $0x2000b8;
	[tilespmem:$0x8100] =	vst v63  }
0xaa: {  	_ =	swait.ge [sflag:s9], $0x4000  }
0xab: {  	[sflag:s9] =	ssyncset.done $0x0  }
0xac: {  	[sflag:s9] =	ssyncadd.s32 $0xFFFFC000  }
0xad: {  	_ =	strace $0x9000004B  }
0xae: {  	_ =	strace $0x8000004C  }
0xaf: {  	[hbm4b:s17+s2] =	stream.linear.scatter [tilespmem:s8], [sflag:$0x3], $0x4000, $0x200038;
	[tilespmem:$0x8100] =	vst v63  }
0xb0: {  	_ =	strace $0x9000004C  }
0xb1: {  	_ =	strace $0x8000004D  }
0xb2: {  	_ =	swait.ge [sflag:s18], $0x4000  }
0xb3: {  	[sflag:s18] =	ssyncset.done $0x0  }
0xb4: {  	[sflag:s18] =	ssyncadd.s32 $0xFFFFC000  }
0xb5: {  	_ =	strace $0x9000004D  }
0xb6: {  	_ =	strace $0x80000049  }
0xb7: {  	[tilespmem:s2], [sflag:$0x1] =	stream.linear.gather [hbm4b:s19+s2], $0x80, $0x200038;
	[tilespmem:$0x8100] =	vst v63  }
0xb8: {  	_ =	strace $0x90000049  }
0xb9: {  	_ =	strace $0x8000004A  }
0xba: {  	_ =	swait.ge [sflag:s12], $0x80  }
0xbb: {  	[sflag:s12] =	ssyncset.done $0x0  }
0xbc: {  	[sflag:s12] =	ssyncadd.s32 $0xFFFFFF80  }
0xbd: {  	_ =	strace $0x9000004A  }
0xbe: {  	_ =	strace $0x8000004B  }
0xbf: {  	[tilespmem:s13], [sflag:$0x5] =	stream.indirect.gather [hbm4b:s7+s5], $0x80, s5, s5, $0x2000b8;
	[tilespmem:$0x8100] =	vst v63  }
0xc0: {  	_ =	swait.ge [sflag:s9], $0x4000  }
0xc1: {  	[sflag:s9] =	ssyncset.done $0x0  }
0xc2: {  	[sflag:s9] =	ssyncadd.s32 $0xFFFFC000  }
0xc3: {  	_ =	strace $0x9000004B  }
0xc4: {  	_ =	strace $0x8000004C  }
0xc5: {  	[hbm4b:s20+s2] =	stream.linear.scatter [tilespmem:s13], [sflag:$0x4], $0x4000, $0x200038;
	[tilespmem:$0x8100] =	vst v63  }
0xc6: {  	_ =	strace $0x9000004C  }
0xc7: {  	_ =	strace $0x8000004D  }
0xc8: {  	_ =	swait.ge [sflag:s15], $0x4000  }
0xc9: {  	[sflag:s15] =	ssyncset.done $0x0  }
0xca: {  	[sflag:s15] =	ssyncadd.s32 $0xFFFFC000  }
0xcb: {  	_ =	strace $0x9000004D  }
0xcc: {  	_ =	strace $0x8000004A  }
0xcd: {  	_ =	swait.ge [sflag:s6], $0x80  }
0xce: {  	[sflag:s6] =	ssyncset.done $0x0  }
0xcf: {  	[sflag:s6] =	ssyncadd.s32 $0xFFFFFF80  }
0xd0: {  	_ =	strace $0x9000004A  }
0xd1: {  	_ =	strace $0x8000004B  }
0xd2: {  	[tilespmem:s8], [sflag:$0x5] =	stream.indirect.gather [hbm4b:s7+s5], $0x80, s2, s5, $0x2000b8;
	[tilespmem:$0x8100] =	vst v63  }
0xd3: {  	_ =	swait.ge [sflag:s9], $0x4000  }
0xd4: {  	[sflag:s9] =	ssyncset.done $0x0  }
0xd5: {  	[sflag:s9] =	ssyncadd.s32 $0xFFFFC000  }
0xd6: {  	_ =	strace $0x9000004B  }
0xd7: {  	_ =	strace $0x8000004C  }
0xd8: {  	[hbm4b:s21+s2] =	stream.linear.scatter [tilespmem:s8], [sflag:$0x3], $0x4000, $0x200038;
	[tilespmem:$0x8100] =	vst v63  }
0xd9: {  	_ =	strace $0x9000004C  }
0xda: {  	_ =	strace $0x8000004D  }
0xdb: {  	_ =	swait.ge [sflag:s18], $0x4000  }
0xdc: {  	[sflag:s18] =	ssyncset.done $0x0  }
0xdd: {  	[sflag:s18] =	ssyncadd.s32 $0xFFFFC000  }
.Ltmp1:
0xde: {  	_ =	strace $0x9000004D;
	(pc) =	sbr.rel @p0 .LBB2_1-.Ltmp1, $4  }
0xdf: {  	_ =	strace $0x8000004E  }
0xe0: {  	_ =	swait.ge [sflag:s15], $0x4000  }
0xe1: {  	[sflag:s15] =	ssyncset.done $0x0  }
0xe2: {  	[sflag:s15] =	ssyncadd.s32 $0xFFFFC000  }
.LBB2_2:
0xe3: {  	_ =	strace $0x9000004E  }
0xe4: {  	_ =	sfence.sel $0x180000  }
0xe5: {  	[bflag:$0x0] =	sbarrier.arrive $0xFFFF  }
0xe6: {  	p0 =	sne.s32 s0, $0x0;
	_ =	strace $0x90000047  }
0xe7: {  	s0 =	sadd.s32 @!p0 $0x100000, s1;
	[bflag:$0x2] =	sbarrier.arrive $0xFFFF  }
0xe8: {  	[sflag:s0] =	ssyncadd.tile.s32 @!p0 $0x1;
	_ =	shalt  }
.Lfunc_end2:
_tile_overlayer_lowered:
.L_overlay_start_2:
0xe9: {  	(tag) =	ssettag $0x2  }
0xea: {  	s0 =	rddreg [dreg:$0x0];
	s2 =	stileid.u32  }
0xeb: {  	s1 =	rddreg [dreg:$0x1];
	p0 =	sne.s32 s2, $0x0  }
0xec: {  	s3 =	rddreg [dreg:$0x2];
	[bflag:$0x3] =	sbarrier.arrive $0xFFFF;
	s2 =	simm.s32 @!p0 $0x1C01  }
0xed: {  	[timem:s3], [sflag:s2] =	dma.local @!p0 [hbm:s0], s1  }
0xee: {  	s0 =	simm.s32 @!p0 $0x1  }
0xef: {  	_ =	swait.ge @!p0 [sflag:s0], s1  }
0xf0: {  	s1 =	ssub.s32 @!p0 $0x0, s1;
	[sflag:s0] =	ssyncset.done @!p0 $0x0  }
0xf1: {  	[sflag:s0] =	ssyncadd.s32 @!p0 s1  }
0xf2: {  	[bflag:$0x3] =	sbarrier.arrive $0xFFFF  }
0xf3: {  	_ =	shalt  }

// kernel: sparse-core-data-format-call.cloned.1.call-start
scs
called_computation_lowered:
.L_overlay_start_0:
0x0: {  	s2 =	sld [smem:$0x3FD9]  }
0x1: {  	s3 =	sld [smem:$0x3FFE];
	_ =	sdelay $0x1  }
0x2: {  	s1 =	srdreg.scid  }
0x3: {  	s0 =	sand.u32 $0x1, s1  }
0x4: {  	s18 =	sshll.u32 s0, $0xA;
	s2 =	sadd.s32 s3, s2  }
0x5: {  	s2 =	sadd.s32 s2, s18  }
0x6: {  	[smem:$0x3FC4] =	sst s2  }
0x7: {  	_ = 	snop  }
0x8: {  	s2 =	sld [smem:$0x3FD0];
	(tm) =	ssettm $0x1  }
0x9: {  	s19 =	sld [smem:$0x3FFB];
	_ =	sdelay $0x3  }
0xa: {  	_ =	strace s19  }
0xb: {  	s3 =	sld [smem:$0x3FFC];
	_ =	sdelay $0x3  }
0xc: {  	_ =	strace s3  }
0xd: {  	s3 =	sld [smem:$0x3FFD];
	_ =	sdelay $0x3  }
0xe: {  	_ =	strace s3  }
0xf: {  	_ =	strace $0x8FFFFFFF  }
0x10: {  	s20 =	sld [smem:$0x3FDB];
	_ =	sdelay $0x1  }
0x11: {  	s4 =	simm.s32 $_scs_section_size  }
0x12: {  	s5 =	simm.s32 $_size__tile_overlayer_lowered;
	s6 =	simm.s32 $_tile_overlayer_lowered  }
0x13: {  	s23 =	simm.s32 $0x1BFF;
	s22 =	sshll.u32 s6, $0x1;
	s3 =	sadd.s32 s4, s20  }
0x14: {  	s7 =	simm.s32 $0x0;
	s21 =	sshll.u32 s5, $0x1;
	s5 =	sadd.s32 s22, s3  }
0x15: {  	[timem:s7], [sflag:s23] =	dma.local [hbm:s5], s21  }
0x16: {  	_ =	swait.ge [sflag:s23], s21  }
0x17: {  	s4 =	ssub.s32 $0x0, s21;
	[sflag:s23] =	ssyncset.done $0x0  }
0x18: {  	[sflag:s23] =	ssyncadd.s32 s4;
	_ =	sdelay $0x1  }
0x19: {  	s24 =	simm.s32 $0x1B8B  }
0x1a: {  	_ =	swait.ge [sflag:s24], $0x1  }
0x1b: {  	[sflag:s24] =	ssyncset.done $0x0  }
0x1c: {  	s26 =	simm.s32 $0x1B8E;
	s25 =	sld [smem:$0x3FFE];
	[sflag:s24] =	ssyncadd.s32 $0xFFFFFFFF  }
0x1d: {  	s27 =	simm.s32 $execute0_lowered;
	[smem:$0x3FD2] =	sst s26  }
0x1e: {  	s5 =	sshll.u32 s27, $0x1;
	_ =	strace $0x80000050;
	[dreg:$0x1] =	wrdreg $0xFFFFFFFF  }
0x1f: {  	s28 =	simm.s32 $_size_execute0_lowered;
	s3 =	sadd.s32 s3, s5;
	[dreg:$0x0] =	wrdreg $0x0  }
0x20: {  	s5 =	sshll.u32 s28, $0x1;
	[dreg:$0x2] =	wrdreg s3  }
0x21: {  	[dreg:$0x3] =	wrdreg s5  }
0x22: {  	[dreg:$0x4] =	wrdreg $0xC0  }
0x23: {  	_ =	task [dreg:s7], $0x5FFFF  }
0x24: {  	[dreg:$0x1] =	wrdreg $0xFFFFFFFF  }
0x25: {  	[dreg:$0x0] =	wrdreg $0x60  }
0x26: {  	[dreg:$0x2] =	wrdreg s25  }
0x27: {  	[dreg:$0x3] =	wrdreg s2  }
0x28: {  	[dreg:$0x4] =	wrdreg $0x9  }
0x29: {  	_ =	task.clear_ibuf [dreg:s7], $0x5FFFF;
	_ =	strace $0x90000050  }
0x2a: {  	s29 =	simm.s32 $0x9;
	_ =	strace $0x80000052  }
0x2b: {  	_ =	swait.ge [sflag:s29], $0x1  }
0x2c: {  	[sflag:s29] =	ssyncadd.s32 $0xFFFFFFFF  }
0x2d: {  	_ =	strace $0x90000052  }
0x2e: {  	_ =	sfence  }
0x2f: {  	s30 =	sld [smem:$0x0];
	_ =	sdelay $0x2  }
0x30: {  	s31 =	sshll.u32 s1, $0xD;
	s1 =	sshrl.u32 s1, $0x2  }
0x31: {  	s3 =	sand.u32 $0x4000, s31;
	s1 =	sadd.s32 s1, s30  }
0x32: {  	s0 =	sor.u32 s3, s0;
	s1 =	sshll.u32 s1, $0x11  }
0x33: {  	s0 =	sor.u32 s1, s0  }
0x34: {  	s0 =	sadd.s32 $0x8F2B, s0  }
0x35: {  	[sflag:s0] =	ssyncadd.remote.s32 $0x1  }
0x36: {  	_ =	sfence.sel $0xFFFF  }
0x37: {  	[dreg:$0x0] =	wrdreg $0xFFFFFFFF;
	(pc) =	sbr.abs _section_cstart, $3  }
0x38: {  	[dreg:$0x1] =	wrdreg $0xFFFFFFFF  }
0x39: {  	_ =	task.clear_ibuf [dreg:s7], $0x2FFFF;
	_ =	strace $0x9FFFFFFF  }
0x3a: {  	(tm) =	ssettm $0x7FFFFFFF  }
0x3b: {  	_ =	shalt  }
tec
execute0_lowered:
.L_overlay_start_1:
0x0: {  	(tag) =	ssettag $0x1  }
0x1: {  	s0 =	stileid.u32  }
0x2: {  	s2 =	srdreg.scid;
	s7 =	rddreg [dreg:$0x0]  }
0x3: {  	s6 =	simm.s32 $0x1;
	s31 =	simm.s32 $0x2;
	s16 =	simm.s32 $0x0  }
0x4: {  	s9 =	simm.s32 $0x2000;
	s15 =	simm.s32 $0x0;
	s10 =	simm.s32 $0x0  }
0x5: {  	s11 =	simm.s32 $0x0;
	s14 =	simm.s32 $0x0;
	s1 =	sshll.u32 s0, $0x7  }
0x6: {  	s3 =	sshll.u32 s0, $0x4;
	s2 =	sshll.u32 s2, $0x8;
	s1 =	sand.u32 $0x380, s1  }
0x7: {  	s7 =	sadd.s32 $0xE17C00, s7;
	s2 =	sor.u32 s3, s2;
	s5 =	ssub.s32 $0x400, s1  }
0x8: {  	s3 =	rddreg [dreg:$0x1];
	s4 =	sand.u32 $0x180, s2;
	s29 =	sand.u32 $0x380, s5  }
0x9: {  	s30 =	ssub.s32 $0x18680, s4;
	s5 =	sshrl.u32 s5, $0xA;
	p0 =	sne.s32 s29, $0x0  }
.Ltmp0:
0xa: {  	s8 =	sshrl.u32 s30, $0x9;
	s6 =	simm.s32 @!p0 $0x0;
	(pc) =	sbr.rel .LBB1_1-.Ltmp0, $4  }
0xb: {  	s2 =	rddreg [dreg:$0x2];
	s8 =	sadd.s32 $0x1, s8;
	s6 =	sadd.s32 s6, s5  }
0xc: {  	_ =	strace $0x80000051;
	s5 =	simm.s32 $0x1;
	s6 =	smul.u32 s6, s8  }
0xd: {  	s13 =	smov.u32 s1;
	s12 =	smov.u32 s4;
	[sflag:s5] =	ssyncpa.u1 $0x0  }
0xe: {  	p0 =	por $0x0, $0x0;
	[sflag:s31] =	ssyncpa.u1 $0x0;
	s8 =	sadd.s32 $0x1, s6  }
.LBB1_4:
0xf: {  	s21 =	sshra.s32 s21, $0x2;
	s27 =	sshll.u32 s10, $0xA;
	s22 =	sshll.u32 s11, $0x3  }
0x10: {  	s23 =	sshll.u32 s10, $0x7;
	s24 =	sand.u32 $0x78, s11;
	p1 =	sgt.s32 s10, $0x18620  }
0x11: {  	s25 =	sshra.s32 s10, $0x1F;
	s26 =	sshra.s32 s11, $0x1F;
	s20 =	sadd.s32 s21, s20  }
0x12: {  	v5 =	vld [tilespmem:s18+$0xFFFFFFD0];
	[tilespmem:s19+$0x2040 ss:$0x81] =	vst.msk $0xffff, v4;
	s21 =	sand.u32 $0xFFFFE000, s27;
	s22 =	sand.u32 $0xFFFFFC00, s22;
	s28 =	sand.u32 $0x380, s23  }
0x13: {  	v58 =	vld [tilespmem:s18+$0xFFFFFFE0];
	[tilespmem:s19+$0x2850 ss:$0x81] =	vst.msk $0xffff, v3;
	s23 =	smov.u32 s10;
	s30 =	sand.u32 s25, s10;
	s25 =	smov.u32 s11  }
0x14: {  	v59 =	vld [tilespmem:s18+$0xFFFFFFF0];
	[tilespmem:s19+$0x3060 ss:$0x81] =	vst.msk $0xffff, v2;
	s31 =	sand.u32 s26, s11;
	s21 =	sadd.s32 s22, s21;
	s22 =	sor.u32 s24, s28  }
0x15: {  	v60 =	vld [tilespmem:s18+$0x0];
	[tilespmem:s19+$0x0 ss:$0x81] =	vst.msk $0xffff, v1;
	s23 =	simm.s32 @!p1 $0x18620;
	p1 =	sgt.s32 s11, $0x380;
	s21 =	sshrl.u32 s21, $0xA  }
0x16: {  	v61 =	vld [tilespmem:s18+$0x10];
	[tilespmem:s20+$0x3870 ss:$0x81] =	vst.msk $0xffff, v0;
	s19 =	ssub.s32 s23, s30;
	s25 =	simm.s32 @!p1 $0x380;
	s29 =	smulhi.u32 $0x53E2D7, s21  }
0x17: {  	v62 =	vld [tilespmem:s18+$0x20];
	s23 =	ssub.s32 s25, s31;
	s26 =	sadd.s32 $0xFFFE79E0, s19;
	s19 =	ssub.s32 $0x186A0, s19;
	[tilespmem:s20+$0x810 ss:$0x81] =	vst.msk $0xffff, v5  }
0x18: {  	v63 =	vld [tilespmem:s18+$0xFFFFFFC0];
	[tilespmem:s20+$0x1020 ss:$0x81] =	vst.msk $0xffff, v58;
	p1 =	sgt.s32 s26, $0x7F;
	s28 =	sadd.s32 $0xFFFFFC80, s23;
	s24 =	sshrl.u32 s29, $0x7  }
0x19: {  	[tilespmem:s20+$0x1830 ss:$0x81] =	vst.msk $0xffff, v59;
	s23 =	ssub.s32 $0x400, s23;
	p2 =	sgt.s32 s28, $0x7F;
	s27 =	smul.u32 $0x186A0, s24  }
0x1a: {  	s30 =	sand.u32 $0x7, s11;
	[tilespmem:s20+$0x2040 ss:$0x81] =	vst.msk $0xffff, v60;
	s19 =	simm.s32 @p1 $0x0;
	s23 =	simm.s32 @p2 $0x0  }
0x1b: {  	[tilespmem:s20+$0x2850 ss:$0x81] =	vst.msk $0xffff, v61;
	s29 =	sshrl.u32 s22, $0x3;
	s19 =	smul.u32 s23, s19;
	s18 =	ssub.s32 s21, s27  }
0x1c: {  	[tilespmem:s20+$0x3060 ss:$0x81] =	vst.msk $0xffff, v62;
	s22 =	sshll.u32 s30, $0x12;
	s21 =	sadd.s32 s3, s29;
	s18 =	sshll.u32 s18, $0x7  }
0x1d: {  	[tilespmem:s20+$0x0 ss:$0x81] =	vst.msk $0xffff, v63;
	s31 =	sor.u32 $0x400, s22;
	s19 =	sand.u32 $0x3FFFFFFF, s19;
	s18 =	sadd.s32 s18, s21  }
0x1e: {  	[hbm4b:s18+s31] =	stream.strided.scatter [tilespmem:s17], [sflag:$0x2], s19, s9, s31, $0x20;
	[tilespmem:$0x10100] =	vst v63  }
.LBB1_5:
0x1f: {  	p1 =	slt.u32 s14, $0x2  }
0x20: {  	s18 =	smov.u32 s16;
	p2 =	sgt.s32 @!p1 s16, $0x18620;
	s17 =	sshra.s32 @!p1 s16, $0x1F  }
0x21: {  	p3 =	sgt.s32 @!p1 s15, $0x380;
	s19 =	sshra.s32 @!p1 s15, $0x1F;
	p2 =	por !p2, p1  }
0x22: {  	s16 =	sand.u32 @!p1 s17, s16;
	p3 =	por !p3, p1;
	s17 =	smov.u32 s15  }
0x23: {  	s15 =	sand.u32 @!p1 s19, s15;
	s18 =	simm.s32 @p2 $0x18620;
	s17 =	simm.s32 @p3 $0x380  }
0x24: {  	s16 =	ssub.s32 @!p1 s18, s16;
	s15 =	ssub.s32 @!p1 s17, s15  }
0x25: {  	s19 =	smov.u32 s13;
	s17 =	sadd.s32 @!p1 $0xFFFE79E0, s16;
	s18 =	sadd.s32 @!p1 $0xFFFFFC80, s15  }
0x26: {  	s16 =	ssub.s32 @!p1 $0x186A0, s16;
	p2 =	sgt.s32 @!p1 s17, $0x7F;
	p3 =	sgt.s32 @!p1 s18, $0x7F  }
0x27: {  	s15 =	ssub.s32 @!p1 $0x400, s15;
	p2 =	por !p2, p1;
	p3 =	por !p3, p1  }
0x28: {  	s17 =	sadd.s32 $0x200, s12;
	s16 =	simm.s32 @!p2 $0x0;
	s15 =	simm.s32 @!p3 $0x0  }
0x29: {  	p2 =	sgt.s32 s17, $0x1869F;
	s15 =	smul.u32 @!p1 s15, s16;
	s16 =	sadd.s32 $0x400, s13  }
0x2a: {  	s19 =	smov.u32 @p2 s16  }
0x2b: {  	s17 =	smov.u32 @p2 s4;
	p2 =	sgt.s32 s19, $0x3FF  }
0x2c: {  	s19 =	smov.u32 @p2 s1;
	p2 =	sne.s32 s14, s8  }
.Ltmp1:
0x2d: {  	p0 =	por !p0, !p0;
	s18 =	simm.s32 @!p1 $0x2;
	(pc) =	sbr.rel @!p2 .LBB1_6-.Ltmp1, $4  }
0x2e: {  	s16 =	smov.u32 s10;
	s10 =	smov.u32 s12;
	s15 =	sand.u32 @!p1 $0x3FFFFFFF, s15  }
0x2f: {  	s12 =	smov.u32 s17;
	_ =	swait.ge @!p1 [sflag:s18], s15;
	s20 =	ssub.s32 @!p1 $0x0, s15  }
0x30: {  	s15 =	smov.u32 s11;
	s14 =	sadd.s32 $0x1, s14;
	[sflag:s18] =	ssyncset.done @!p1 $0x0  }
0x31: {  	s11 =	smov.u32 s13;
	s13 =	smov.u32 s19;
	[sflag:s18] =	ssyncadd.s32 @!p1 s20  }
.LBB1_1:
0x32: {  	p1 =	sge.u32 s14, s6  }
0x33: {  	s17 =	sshrl.u32 @!p1 s13, $0x3  }
0x34: {  	s18 =	sshll.u32 @!p1 s12, $0x3;
	s17 =	smul.u32 @!p1 $0xC3800, s17  }
0x35: {  	s19 =	sshll.u32 @!p1 s13, $0x7;
	s18 =	sand.u32 @!p1 $0xFFFFFC00, s18  }
0x36: {  	s17 =	sadd.s32 @!p1 s17, s18;
	s18 =	sand.u32 @!p1 $0x380, s19  }
0x37: {  	s19 =	sand.u32 @!p1 $0x7F, s12;
	s17 =	sor.u32 @!p1 s18, s17  }
0x38: {  	s18 =	sor.u32 @!p1 s19, s17  }
0x39: {  	s19 =	smulhi.u32 @!p1 $0xA79C7B17, s18;
	_ =	sdelay $0x1  }
0x3a: {  	s17 =	smulhi.u32 @!p1 $0xA79C7B17, s17;
	s19 =	sshrl.u32 @!p1 s19, $0x10  }
0x3b: {  	s19 =	smul.u32 @!p1 $0x18700, s19  }
0x3c: {  	s31 =	sadd.s32 $0xFFFFFFFF, s14;
	s20 =	sxor.u32 @!p1 $0xFFFFFFFF, s14;
	s17 =	sshrl.u32 @!p1 s17, $0x10  }
0x3d: {  	s20 =	sshll.u32 @!p1 s20, $0xE;
	s17 =	sand.u32 @!p1 $0x3FF, s17;
	s18 =	ssub.s32 @!p1 s18, s19  }
0x3e: {  	s17 =	smul.u32 @!p1 $0x30E0, s17;
	s19 =	sshrl.u32 @!p1 s18, $0x3;
	s18 =	sand.u32 @!p1 $0x7, s18  }
0x3f: {  	s20 =	sand.u32 @!p1 $0x4000, s20;
	s19 =	sadd.s32 @!p1 s7, s19;
	s18 =	sshll.u32 @!p1 s18, $0x12  }
0x40: {  	s17 =	sadd.s32 @!p1 s17, s19;
	s18 =	sor.u32 @!p1 $0x400, s18;
	s19 =	simm.s32 @!p1 $0xC3800  }
0x41: {  	[tilespmem:s20], [sflag:$0x1] =	stream.strided.gather @!p1 [hbm4b:s17+s18], $0x4000, s19, s18, $0x38;
	[tilespmem:$0x10100] =	vst v63  }
0x42: {  	p1 =	sge.u32 s31, s6  }
.Ltmp2:
0x43: {  	_ = 	snop;
	(pc) =	sbr.rel @p1 .LBB1_5-.Ltmp2, $1  }
0x44: {  	_ =	sdelay $0x3  }
0x45: {  	s17 =	simm.s32 $0x1  }
0x46: {  	_ =	swait.ge [sflag:s5], $0x4000;
	s17 =	simm.s32 @!p0 $0x0  }
0x47: {  	[sflag:s5] =	ssyncset.done $0x0;
	s18 =	sshll.u32 s17, $0xE  }
0x48: {  	[sflag:s5] =	ssyncadd.s32 $0xFFFFC000;
	s18 =	sor.u32 $0x40, s18  }
0x49: {  	s17 =	smul.u32 $0x10200, s17;
	v0 =	vld [tilespmem:s18+$0x30]  }
0x4a: {  	v1 =	vld [tilespmem:s18+$0xFFFFFFD0]  }
0x4b: {  	s17 =	sshrl.u32 s17, $0x2;
	v5 =	vld [tilespmem:s18+$0xFFFFFFE0]  }
0x4c: {  	v6 =	vld [tilespmem:s18+$0xFFFFFFF0];
	s20 =	sor.u32 $0x8000, s17  }
0x4d: {  	s31 =	sand.u32 $0x1, s14;
	v4 =	vld [tilespmem:s18+$0x0];
	s19 =	sadd.s32 $0x0, s20  }
0x4e: {  	v3 =	vld [tilespmem:s18+$0x10];
	s17 =	smul.u32 $0x10200, s31;
	[tilespmem:s19+$0x3870 ss:$0x81] =	vst.msk $0xffff, v0  }
0x4f: {  	v2 =	vld [tilespmem:s18+$0x20];
	[tilespmem:s19+$0x810 ss:$0x81] =	vst.msk $0xffff, v1  }
0x50: {  	s17 =	sshrl.u32 s17, $0x2;
	v1 =	vld [tilespmem:s18+$0xFFFFFFC0];
	[tilespmem:s19+$0x1020 ss:$0x81] =	vst.msk $0xffff, v5;
	s18 =	sadd.s32 $0x80, s18  }
0x51: {  	s21 =	simm.s32 $0x4;
	s22 =	simm.s32 $0x8;
	s17 =	sor.u32 $0x8000, s17;
	[tilespmem:s19+$0x1830 ss:$0x81] =	vst.msk $0xffff, v6;
	v0 =	vld [tilespmem:s18+$0x30]  }
.LBB1_3:
0x52: {  	p1 =	sne.s32 s22, $0x1FC;
	v5 =	vld [tilespmem:s18+$0xFFFFFFD0];
	[tilespmem:s19+$0x2040 ss:$0x81] =	vst.msk $0xffff, v4  }
0x53: {  	v6 =	vld [tilespmem:s18+$0xFFFFFFE0];
	[tilespmem:s19+$0x2850 ss:$0x81] =	vst.msk $0xffff, v3  }
0x54: {  	s23 =	sshra.s32 s21, $0x2;
	s21 =	smov.u32 s22;
	v7 =	vld [tilespmem:s18+$0xFFFFFFF0];
	[tilespmem:s19+$0x3060 ss:$0x81] =	vst.msk $0xffff, v2  }
.Ltmp3:
0x55: {  	v4 =	vld [tilespmem:s18+$0x0];
	[tilespmem:s19+$0x0 ss:$0x81] =	vst.msk $0xffff, v1;
	s19 =	sadd.s32 s23, s20;
	(pc) =	sbr.rel @p1 .LBB1_3-.Ltmp3, $4  }
0x56: {  	v3 =	vld [tilespmem:s18+$0x10];
	[tilespmem:s19+$0x3870 ss:$0x81] =	vst.msk $0xffff, v0  }
0x57: {  	[tilespmem:s19+$0x810 ss:$0x81] =	vst.msk $0xffff, v5;
	v2 =	vld [tilespmem:s18+$0x20]  }
0x58: {  	v1 =	vld [tilespmem:s18+$0xFFFFFFC0];
	[tilespmem:s19+$0x1020 ss:$0x81] =	vst.msk $0xffff, v6;
	s18 =	sadd.s32 $0x80, s18  }
0x59: {  	s22 =	sadd.s32 $0x4, s22;
	v0 =	vld [tilespmem:s18+$0x30];
	[tilespmem:s19+$0x1830 ss:$0x81] =	vst.msk $0xffff, v7  }
.Ltmp4:
0x5a: {  	_ = 	snop;
	(pc) =	sbr.rel .LBB1_4-.Ltmp4, $1  }
0x5b: {  	_ =	sdelay $0x3  }
.LBB1_6:
0x5c: {  	_ =	sfence.sel $0x180000  }
0x5d: {  	s1 =	simm.s32 $0x1;
	[bflag:$0x0] =	sbarrier.arrive $0xFFFF  }
0x5e: {  	s31 =	simm.s32 $0x2;
	[sflag:s1] =	ssyncpa.u1 $0x1  }
0x5f: {  	[sflag:s31] =	ssyncpa.u1 $0x1  }
0x60: {  	p0 =	sne.s32 s0, $0x0;
	_ =	strace $0x90000051  }
0x61: {  	s0 =	sadd.s32 @!p0 $0x100000, s2;
	[bflag:$0x2] =	sbarrier.arrive $0xFFFF  }
0x62: {  	[sflag:s0] =	ssyncadd.tile.s32 @!p0 $0x1;
	_ =	shalt  }
.Lfunc_end1:
_tile_overlayer_lowered:
.L_overlay_start_2:
0x63: {  	(tag) =	ssettag $0x2  }
0x64: {  	s0 =	rddreg [dreg:$0x0];
	s2 =	stileid.u32  }
0x65: {  	s1 =	rddreg [dreg:$0x1];
	p0 =	sne.s32 s2, $0x0  }
0x66: {  	s3 =	rddreg [dreg:$0x2];
	[bflag:$0x3] =	sbarrier.arrive $0xFFFF;
	s2 =	simm.s32 @!p0 $0x1C01  }
0x67: {  	[timem:s3], [sflag:s2] =	dma.local @!p0 [hbm:s0], s1  }
0x68: {  	s0 =	simm.s32 @!p0 $0x1  }
0x69: {  	_ =	swait.ge @!p0 [sflag:s0], s1  }
0x6a: {  	s1 =	ssub.s32 @!p0 $0x0, s1;
	[sflag:s0] =	ssyncset.done @!p0 $0x0  }
0x6b: {  	[sflag:s0] =	ssyncadd.s32 @!p0 s1  }
0x6c: {  	[bflag:$0x3] =	sbarrier.arrive $0xFFFF  }
0x6d: {  	_ =	shalt  }

</sc_bundles>
